<compile_context>
chip_gen: v7x
topology: tpu7x:2x2x1
jax: 0.10.2.dev20260603
libtpu: 0.0.44.dev20260713+nightly
codegen_flags: <defaults>
</compile_context>

<pallas_src>
import functools
import math

import jax
import jax.numpy as jnp
from jax import lax
from jax.experimental import pallas as pl
from jax.experimental.pallas import tpu as pltpu
from jax.experimental.pallas import tpu_sc as plsc

_NUM_NODES = 10000
_NUM_EDGES = 320000
_EMB_DIM = 128
_EDGE_PROBA = _NUM_EDGES / (_NUM_NODES ** 2 - _NUM_NODES)
_EPS = -math.log(1.0 - _EDGE_PROBA)

_NC = 2
_NS = 16
_NW = _NC * _NS
_LANES = 16

_EDGES_PER_W = _NUM_EDGES // _NW
_CHUNK = 400
_NCHUNKS = _EDGES_PER_W // _CHUNK
_NGROUPS = _CHUNK // _LANES


def _make_sc_kernel():
    mesh = plsc.VectorSubcoreMesh(core_axis_name="c", subcore_axis_name="s")

    @functools.partial(
        pl.kernel,
        mesh=mesh,
        compiler_params=pltpu.CompilerParams(needs_layout_passes=False, use_tc_tiling_on_sc=False),
        out_type=jax.ShapeDtypeStruct((_NUM_EDGES,), jnp.float32),
        scratch_types=[
            pltpu.VMEM((_EDGES_PER_W,), jnp.int32),
            pltpu.VMEM((_EDGES_PER_W,), jnp.int32),
            pltpu.VMEM((_CHUNK, _EMB_DIM // 2), jnp.int32),
            pltpu.VMEM((_CHUNK, _EMB_DIM // 2), jnp.int32),
            pltpu.VMEM((_CHUNK, _EMB_DIM // 2), jnp.int32),
            pltpu.VMEM((_CHUNK, _EMB_DIM // 2), jnp.int32),
            pltpu.VMEM((_CHUNK,), jnp.float32),
            pltpu.VMEM((_CHUNK,), jnp.float32),
            pltpu.SemaphoreType.DMA,
            pltpu.SemaphoreType.DMA,
            pltpu.SemaphoreType.DMA,
            pltpu.SemaphoreType.DMA,
        ],
    )
    def body(emb_hbm, e1_hbm, e2_hbm, out_hbm,
             idx1_all, idx2_all, rows1a, rows2a, rows1b, rows2b,
             dots_v, out_v, sem1a, sem2a, sem1b, sem2b):
        wid = lax.axis_index("s") * _NC + lax.axis_index("c")
        w_base = wid * _EDGES_PER_W

        pltpu.sync_copy(e1_hbm.at[pl.ds(w_base, _EDGES_PER_W)], idx1_all)
        pltpu.sync_copy(e2_hbm.at[pl.ds(w_base, _EDGES_PER_W)], idx2_all)

        def fire(c, r1, r2, s1, s2):
            sl = pl.ds(c * _CHUNK, _CHUNK)
            pltpu.async_copy(emb_hbm.at[idx1_all.at[sl]], r1, s1)
            pltpu.async_copy(emb_hbm.at[idx2_all.at[sl]], r2, s2)

        def drain(r1, r2, s1, s2):
            sl = pl.ds(0, _CHUNK)
            pltpu.make_async_copy(emb_hbm.at[idx1_all.at[sl]], r1, s1).wait()
            pltpu.make_async_copy(emb_hbm.at[idx2_all.at[sl]], r2, s2).wait()

        lane_iota = lax.iota(jnp.int32, _LANES)
        last_mask = lane_iota == (_LANES - 1)

        def compute(c, r1, r2):
            def edge_body(e, carry):
                def slab(r, j):
                    return plsc.bitcast(r[e, pl.ds(j * 16, 16)], jnp.bfloat16)
                acc = slab(r1, 0) * slab(r2, 0)
                for j in range(1, 4):
                    acc = acc + slab(r1, j) * slab(r2, j)
                lo, hi = plsc.unpack(acc, format=plsc.PackFormat.INTERLEAVED)
                csum = plsc.cumsum(lo + hi)
                plsc.store_scatter(dots_v, [jnp.full((_LANES,), e, jnp.int32)],
                                   csum, mask=last_mask)
                return carry

            lax.fori_loop(0, _CHUNK, edge_body, 0, unroll=4)

            def g_body(g, carry):
                x = dots_v[pl.ds(g * _LANES, _LANES)]
                out_v[pl.ds(g * _LANES, _LANES)] = (
                    1.0 - jnp.exp(-(x + jnp.float32(_EPS))))
                return carry

            lax.fori_loop(0, _NGROUPS, g_body, 0)
            pltpu.sync_copy(out_v, out_hbm.at[pl.ds(w_base + c * _CHUNK, _CHUNK)])

        fire(0, rows1a, rows2a, sem1a, sem2a)

        def pair_body(cc, carry):
            c0 = cc * 2
            fire(c0 + 1, rows1b, rows2b, sem1b, sem2b)
            drain(rows1a, rows2a, sem1a, sem2a)
            compute(c0, rows1a, rows2a)
            fire(c0 + 2, rows1a, rows2a, sem1a, sem2a)
            drain(rows1b, rows2b, sem1b, sem2b)
            compute(c0 + 1, rows1b, rows2b)
            return carry

        lax.fori_loop(0, (_NCHUNKS - 1) // 2, pair_body, 0)
        drain(rows1a, rows2a, sem1a, sem2a)
        compute(_NCHUNKS - 1, rows1a, rows2a)

    return body


_sc_kernel = _make_sc_kernel()


def kernel(emb, idx):
    emb_bf = emb.astype(jnp.bfloat16)
    emb_pk = jax.lax.bitcast_convert_type(
        emb_bf.reshape(_NUM_NODES, _EMB_DIM // 2, 2), jnp.int32)
    e1 = idx[:, 0]
    e2 = idx[:, 1]
    return _sc_kernel(emb_pk, e1, e2)

# --- scband reference (transcript-rebuilt; emitter-appended) ---
"""Pipeline reference for scband-berpo-decoder-9302899163454 (READ-ONLY COPY).

The authoritative reference and input builder live on the scoring server;
editing this copy changes nothing except your own understanding.
"""

import jax, jax.numpy as jnp
import numpy as np

NUM_NODES = 10000
NUM_EDGES = 320000
EMB_DIM = 128
EDGE_PROBA = NUM_EDGES / (NUM_NODES ** 2 - NUM_NODES)
EPS = -np.log(1.0 - EDGE_PROBA)


def setup_inputs(seed: int = 0) -> dict:
    key = jax.random.key(seed)
    k_emb, k_idx = jax.random.split(key)
    emb = jax.random.uniform(k_emb, (NUM_NODES, EMB_DIM), dtype=jnp.float32)
    idx = jax.random.randint(k_idx, (NUM_EDGES, 2), 0, NUM_NODES, dtype=jnp.int64 if jax.config.jax_enable_x64 else jnp.int32).astype(jnp.int32)
    return {"emb": emb, "idx": idx}


def reference(emb, idx):
    # BerpoDecoder.forward_batch: per-edge Bernoulli probabilities
    e1 = idx[:, 0]
    e2 = idx[:, 1]
    # gather (SparseCore-mappable) then elementwise product + row sum
    logits = jnp.sum(jnp.take(emb, e1, axis=0) * jnp.take(emb, e2, axis=0), axis=1)
    logits = logits + EPS
    probs = 1.0 - jnp.exp(-logits)
    return probs

if __name__ == "__main__":
    import jax
    _d = setup_inputs()
    print(jax.jit(kernel)(*tuple(_d.values())))

</pallas_src>

<mosaic_0001>
#map = affine_map<(d0, d1) -> (0, 0)>
#map1 = affine_map<(d0, d1) -> (0)>
module attributes {stable_mosaic.version = 14 : i64} {
  func.func @body(%arg0: i32, %arg1: i32, %arg2: memref<10000x64xi32, #tpu.memory_space<hbm>>, %arg3: memref<320000xi32, #tpu.memory_space<hbm>>, %arg4: memref<320000xi32, #tpu.memory_space<hbm>>, %arg5: memref<320000xf32, #tpu.memory_space<hbm>>, %arg6: memref<10000xi32, #tpu.memory_space<vmem>>, %arg7: memref<10000xi32, #tpu.memory_space<vmem>>, %arg8: memref<400x64xi32, #tpu.memory_space<vmem>>, %arg9: memref<400x64xi32, #tpu.memory_space<vmem>>, %arg10: memref<400x64xi32, #tpu.memory_space<vmem>>, %arg11: memref<400x64xi32, #tpu.memory_space<vmem>>, %arg12: memref<400xf32, #tpu.memory_space<vmem>>, %arg13: memref<400xf32, #tpu.memory_space<vmem>>, %arg14: memref<!tpu.dma_semaphore, #tpu.memory_space<semaphore_mem>>, %arg15: memref<!tpu.dma_semaphore, #tpu.memory_space<semaphore_mem>>, %arg16: memref<!tpu.dma_semaphore, #tpu.memory_space<semaphore_mem>>, %arg17: memref<!tpu.dma_semaphore, #tpu.memory_space<semaphore_mem>>) attributes {dimension_semantics = [#tpu.dimension_semantics<core_parallel>, #tpu.dimension_semantics<subcore_parallel>], iteration_bounds = array<i64: 2, 16>, scalar_prefetch = 0 : i64, scratch_operands = 12 : i64, tpu.core_type = #tpu.core_type<sc_vector_subcore>, window_params = [{transform_indices = #map}, {transform_indices = #map1}, {transform_indices = #map1}, {transform_indices = #map1}]} {
    %mul3A = arith.constant 2 : i32
    %mul3A_0 = arith.muli %arg1, %mul3A : i32
    %add3A = arith.addi %mul3A_0, %arg0 : i32
    %mul3A_1 = arith.constant 10000 : i32
    %mul3A_2 = arith.muli %add3A, %mul3A_1 : i32
    "tpu.region"() ({
      %run_scoped3A = tpu.sem_alloc : memref<!tpu.dma_semaphore, #tpu.memory_space<semaphore_mem>>
      %dma_start3A_42 = tpu.memref_slice %arg3[%mul3A_2] : memref<320000xi32, #tpu.memory_space<hbm>> -> memref<10000xi32, #tpu.memory_space<hbm>>
      %dma_start3A_43 = tpu.memref_slice %arg3[%mul3A_2] : memref<320000xi32, #tpu.memory_space<hbm>> -> memref<10000xi32, #tpu.memory_space<hbm>>
      tpu.enqueue_dma source(%dma_start3A_43 : memref<10000xi32, #tpu.memory_space<hbm>>) target(%arg6 : memref<10000xi32, #tpu.memory_space<vmem>>) target_semaphore(%run_scoped3A : memref<!tpu.dma_semaphore, #tpu.memory_space<semaphore_mem>>)
      %dma_wait3A_44 = tpu.memref_slice %arg3[%mul3A_2] : memref<320000xi32, #tpu.memory_space<hbm>> -> memref<10000xi32, #tpu.memory_space<hbm>>
      %dma_wait3A_45 = tpu.memref_slice %arg3[%mul3A_2] : memref<320000xi32, #tpu.memory_space<hbm>> -> memref<10000xi32, #tpu.memory_space<hbm>>
      tpu.wait_dma2 semaphore(%run_scoped3A : memref<!tpu.dma_semaphore, #tpu.memory_space<semaphore_mem>>) src(%dma_wait3A_45 : memref<10000xi32, #tpu.memory_space<hbm>>) dst(%arg6 : memref<10000xi32, #tpu.memory_space<vmem>>)
      tpu.yield
    }) : () -> ()
    "tpu.region"() ({
      %run_scoped3A = tpu.sem_alloc : memref<!tpu.dma_semaphore, #tpu.memory_space<semaphore_mem>>
      %dma_start3A_42 = tpu.memref_slice %arg4[%mul3A_2] : memref<320000xi32, #tpu.memory_space<hbm>> -> memref<10000xi32, #tpu.memory_space<hbm>>
      %dma_start3A_43 = tpu.memref_slice %arg4[%mul3A_2] : memref<320000xi32, #tpu.memory_space<hbm>> -> memref<10000xi32, #tpu.memory_space<hbm>>
      tpu.enqueue_dma source(%dma_start3A_43 : memref<10000xi32, #tpu.memory_space<hbm>>) target(%arg7 : memref<10000xi32, #tpu.memory_space<vmem>>) target_semaphore(%run_scoped3A : memref<!tpu.dma_semaphore, #tpu.memory_space<semaphore_mem>>)
      %dma_wait3A_44 = tpu.memref_slice %arg4[%mul3A_2] : memref<320000xi32, #tpu.memory_space<hbm>> -> memref<10000xi32, #tpu.memory_space<hbm>>
      %dma_wait3A_45 = tpu.memref_slice %arg4[%mul3A_2] : memref<320000xi32, #tpu.memory_space<hbm>> -> memref<10000xi32, #tpu.memory_space<hbm>>
      tpu.wait_dma2 semaphore(%run_scoped3A : memref<!tpu.dma_semaphore, #tpu.memory_space<semaphore_mem>>) src(%dma_wait3A_45 : memref<10000xi32, #tpu.memory_space<hbm>>) dst(%arg7 : memref<10000xi32, #tpu.memory_space<vmem>>)
      tpu.yield
    }) : () -> ()
    %iota3A = tpu.iota {dimensions = array<i32: 0>} : vector<16xi32>
    %eq3A = arith.constant 15 : i32
    %eq3A_3 = vector.broadcast %eq3A : i32 to vector<16xi32>
    %eq3A_4 = arith.cmpi eq, %iota3A, %eq3A_3 : vector<16xi32>
    %dma_start3A = arith.constant 0 : i32
    %dma_start3A_5 = tpu.memref_slice %arg6[%dma_start3A] : memref<10000xi32, #tpu.memory_space<vmem>> -> memref<400xi32, #tpu.memory_space<vmem>>
    %dma_start3A_6 = arith.constant 0 : i32
    %dma_start3A_7 = arith.constant 0 : i32
    %dma_start3A_8 = tpu.memref_slice %arg2[%dma_start3A_6, %dma_start3A_7] : memref<10000x64xi32, #tpu.memory_space<hbm>> -> memref<10000x64xi32, #tpu.memory_space<hbm>>
    tpu.enqueue_indirect_dma source(%dma_start3A_8 : memref<10000x64xi32, #tpu.memory_space<hbm>>) target(%arg8 : memref<400x64xi32, #tpu.memory_space<vmem>>) offsets(%dma_start3A_5 : memref<400xi32, #tpu.memory_space<vmem>>) semaphore(%arg14 : memref<!tpu.dma_semaphore, #tpu.memory_space<semaphore_mem>>)
    %dma_start3A_9 = arith.constant 0 : i32
    %dma_start3A_10 = tpu.memref_slice %arg7[%dma_start3A_9] : memref<10000xi32, #tpu.memory_space<vmem>> -> memref<400xi32, #tpu.memory_space<vmem>>
    %dma_start3A_11 = arith.constant 0 : i32
    %dma_start3A_12 = arith.constant 0 : i32
    %dma_start3A_13 = tpu.memref_slice %arg2[%dma_start3A_11, %dma_start3A_12] : memref<10000x64xi32, #tpu.memory_space<hbm>> -> memref<10000x64xi32, #tpu.memory_space<hbm>>
    tpu.enqueue_indirect_dma source(%dma_start3A_13 : memref<10000x64xi32, #tpu.memory_space<hbm>>) target(%arg9 : memref<400x64xi32, #tpu.memory_space<vmem>>) offsets(%dma_start3A_10 : memref<400xi32, #tpu.memory_space<vmem>>) semaphore(%arg15 : memref<!tpu.dma_semaphore, #tpu.memory_space<semaphore_mem>>)
    %scan3A = arith.constant 0 : i32
    %scan3A_14 = arith.constant 0 : i32
    %scan3A_15 = arith.constant 12 : i32
    %scan3A_16 = arith.addi %scan3A_14, %scan3A_15 : i32
    %scan3A_17 = arith.constant 1 : i32
    scf.for %scan3A_42 = %scan3A_14 to %scan3A_16 step %scan3A_17  : i32 {
      %mul3A_43 = arith.constant 2 : i32
      %mul3A_44 = arith.muli %scan3A_42, %mul3A_43 : i32
      %add3A_45 = arith.constant 1 : i32
      %add3A_46 = arith.addi %mul3A_44, %add3A_45 : i32
      %mul3A_47 = arith.constant 400 : i32
      %mul3A_48 = arith.muli %add3A_46, %mul3A_47 : i32
      %dma_start3A_49 = tpu.memref_slice %arg6[%mul3A_48] : memref<10000xi32, #tpu.memory_space<vmem>> -> memref<400xi32, #tpu.memory_space<vmem>>
      %dma_start3A_50 = arith.constant 0 : i32
      %dma_start3A_51 = arith.constant 0 : i32
      %dma_start3A_52 = tpu.memref_slice %arg2[%dma_start3A_50, %dma_start3A_51] : memref<10000x64xi32, #tpu.memory_space<hbm>> -> memref<10000x64xi32, #tpu.memory_space<hbm>>
      tpu.enqueue_indirect_dma source(%dma_start3A_52 : memref<10000x64xi32, #tpu.memory_space<hbm>>) target(%arg10 : memref<400x64xi32, #tpu.memory_space<vmem>>) offsets(%dma_start3A_49 : memref<400xi32, #tpu.memory_space<vmem>>) semaphore(%arg16 : memref<!tpu.dma_semaphore, #tpu.memory_space<semaphore_mem>>)
      %dma_start3A_53 = tpu.memref_slice %arg7[%mul3A_48] : memref<10000xi32, #tpu.memory_space<vmem>> -> memref<400xi32, #tpu.memory_space<vmem>>
      %dma_start3A_54 = arith.constant 0 : i32
      %dma_start3A_55 = arith.constant 0 : i32
      %dma_start3A_56 = tpu.memref_slice %arg2[%dma_start3A_54, %dma_start3A_55] : memref<10000x64xi32, #tpu.memory_space<hbm>> -> memref<10000x64xi32, #tpu.memory_space<hbm>>
      tpu.enqueue_indirect_dma source(%dma_start3A_56 : memref<10000x64xi32, #tpu.memory_space<hbm>>) target(%arg11 : memref<400x64xi32, #tpu.memory_space<vmem>>) offsets(%dma_start3A_53 : memref<400xi32, #tpu.memory_space<vmem>>) semaphore(%arg17 : memref<!tpu.dma_semaphore, #tpu.memory_space<semaphore_mem>>)
      %dma_wait3A_57 = arith.constant 0 : i32
      %dma_wait3A_58 = tpu.memref_slice %arg6[%dma_wait3A_57] : memref<10000xi32, #tpu.memory_space<vmem>> -> memref<400xi32, #tpu.memory_space<vmem>>
      %dma_wait3A_59 = arith.constant 0 : i32
      %dma_wait3A_60 = arith.constant 0 : i32
      %dma_wait3A_61 = tpu.memref_slice %arg2[%dma_wait3A_59, %dma_wait3A_60] : memref<10000x64xi32, #tpu.memory_space<hbm>> -> memref<10000x64xi32, #tpu.memory_space<hbm>>
      tpu.wait_indirect_dma semaphore(%arg14 : memref<!tpu.dma_semaphore, #tpu.memory_space<semaphore_mem>>) src(%dma_wait3A_61 : memref<10000x64xi32, #tpu.memory_space<hbm>>) dst(%arg8 : memref<400x64xi32, #tpu.memory_space<vmem>>)
      %dma_wait3A_62 = arith.constant 0 : i32
      %dma_wait3A_63 = tpu.memref_slice %arg7[%dma_wait3A_62] : memref<10000xi32, #tpu.memory_space<vmem>> -> memref<400xi32, #tpu.memory_space<vmem>>
      %dma_wait3A_64 = arith.constant 0 : i32
      %dma_wait3A_65 = arith.constant 0 : i32
      %dma_wait3A_66 = tpu.memref_slice %arg2[%dma_wait3A_64, %dma_wait3A_65] : memref<10000x64xi32, #tpu.memory_space<hbm>> -> memref<10000x64xi32, #tpu.memory_space<hbm>>
      tpu.wait_indirect_dma semaphore(%arg15 : memref<!tpu.dma_semaphore, #tpu.memory_space<semaphore_mem>>) src(%dma_wait3A_66 : memref<10000x64xi32, #tpu.memory_space<hbm>>) dst(%arg9 : memref<400x64xi32, #tpu.memory_space<vmem>>)
      %scan3A_67 = arith.constant 0 : i32
      %scan3A_68 = arith.constant 0 : i32
      %scan3A_69 = arith.constant 400 : i32
      %scan3A_70 = arith.addi %scan3A_68, %scan3A_69 : i32
      %scan3A_71 = arith.constant 4 : i32
      scf.for %scan3A_121 = %scan3A_68 to %scan3A_70 step %scan3A_71  : i32 {
        %get3A = arith.index_cast %scan3A_121 : i32 to index
        %get3A_122 = arith.constant 0 : index
        %get3A_123 = tpu.vector_load %arg8[%get3A, %get3A_122] {strides = array<i32>} : memref<400x64xi32, #tpu.memory_space<vmem>>, vector<16xi32>,
        %bitcast3A = vector.bitcast %get3A_123 : vector<16xi32> to vector<32xbf16>
        %get3A_124 = arith.index_cast %scan3A_121 : i32 to index
        %get3A_125 = arith.constant 0 : index
        %get3A_126 = tpu.vector_load %arg9[%get3A_124, %get3A_125] {strides = array<i32>} : memref<400x64xi32, #tpu.memory_space<vmem>>, vector<16xi32>,
        %bitcast3A_127 = vector.bitcast %get3A_126 : vector<16xi32> to vector<32xbf16>
        %mul3A_128 = arith.mulf %bitcast3A, %bitcast3A_127 : vector<32xbf16>
        %get3A_129 = arith.index_cast %scan3A_121 : i32 to index
        %get3A_130 = arith.constant 16 : index
        %get3A_131 = tpu.vector_load %arg8[%get3A_129, %get3A_130] {strides = array<i32>} : memref<400x64xi32, #tpu.memory_space<vmem>>, vector<16xi32>,
        %bitcast3A_132 = vector.bitcast %get3A_131 : vector<16xi32> to vector<32xbf16>
        %get3A_133 = arith.index_cast %scan3A_121 : i32 to index
        %get3A_134 = arith.constant 16 : index
        %get3A_135 = tpu.vector_load %arg9[%get3A_133, %get3A_134] {strides = array<i32>} : memref<400x64xi32, #tpu.memory_space<vmem>>, vector<16xi32>,
        %bitcast3A_136 = vector.bitcast %get3A_135 : vector<16xi32> to vector<32xbf16>
        %mul3A_137 = arith.mulf %bitcast3A_132, %bitcast3A_136 : vector<32xbf16>
        %add3A_138 = arith.addf %mul3A_128, %mul3A_137 : vector<32xbf16>
        %get3A_139 = arith.index_cast %scan3A_121 : i32 to index
        %get3A_140 = arith.constant 32 : index
        %get3A_141 = tpu.vector_load %arg8[%get3A_139, %get3A_140] {strides = array<i32>} : memref<400x64xi32, #tpu.memory_space<vmem>>, vector<16xi32>,
        %bitcast3A_142 = vector.bitcast %get3A_141 : vector<16xi32> to vector<32xbf16>
        %get3A_143 = arith.index_cast %scan3A_121 : i32 to index
        %get3A_144 = arith.constant 32 : index
        %get3A_145 = tpu.vector_load %arg9[%get3A_143, %get3A_144] {strides = array<i32>} : memref<400x64xi32, #tpu.memory_space<vmem>>, vector<16xi32>,
        %bitcast3A_146 = vector.bitcast %get3A_145 : vector<16xi32> to vector<32xbf16>
        %mul3A_147 = arith.mulf %bitcast3A_142, %bitcast3A_146 : vector<32xbf16>
        %add3A_148 = arith.addf %add3A_138, %mul3A_147 : vector<32xbf16>
        %get3A_149 = arith.index_cast %scan3A_121 : i32 to index
        %get3A_150 = arith.constant 48 : index
        %get3A_151 = tpu.vector_load %arg8[%get3A_149, %get3A_150] {strides = array<i32>} : memref<400x64xi32, #tpu.memory_space<vmem>>, vector<16xi32>,
        %bitcast3A_152 = vector.bitcast %get3A_151 : vector<16xi32> to vector<32xbf16>
        %get3A_153 = arith.index_cast %scan3A_121 : i32 to index
        %get3A_154 = arith.constant 48 : index
        %get3A_155 = tpu.vector_load %arg9[%get3A_153, %get3A_154] {strides = array<i32>} : memref<400x64xi32, #tpu.memory_space<vmem>>, vector<16xi32>,
        %bitcast3A_156 = vector.bitcast %get3A_155 : vector<16xi32> to vector<32xbf16>
        %mul3A_157 = arith.mulf %bitcast3A_152, %bitcast3A_156 : vector<32xbf16>
        %add3A_158 = arith.addf %add3A_148, %mul3A_157 : vector<32xbf16>
        %unpack3A = tpu.unpack_subelements %add3A_158, 0 {pack_format = #tpu.pack_format<interleaved>} : vector<32xbf16> -> vector<16xf32>
        %unpack3A_159 = tpu.unpack_subelements %add3A_158, 1 {pack_format = #tpu.pack_format<interleaved>} : vector<32xbf16> -> vector<16xf32>
        %add3A_160 = arith.addf %unpack3A, %unpack3A_159 : vector<16xf32>
        %broadcast_in_dim3A = arith.constant true
        %broadcast_in_dim3A_161 = vector.broadcast %broadcast_in_dim3A : i1 to vector<16xi1>
        %masked_cumsum3A = tpu.scan <sum>, %add3A_160 masked %broadcast_in_dim3A_161 : vector<16xf32>, vector<16xi1> -> vector<16xf32>
        %broadcast_in_dim3A_162 = vector.broadcast %scan3A_121 : i32 to vector<16xi32>
        tpu.vector_store_idx %arg12[%broadcast_in_dim3A_162], %masked_cumsum3A masked %eq3A_4 : memref<400xf32, #tpu.memory_space<vmem>>[vector<16xi32>], vector<16xf32>, vector<16xi1>
        %scan3A_163 = arith.constant 1 : i32
        %scan3A_164 = arith.addi %scan3A_121, %scan3A_163 : i32
        %get3A_165 = arith.index_cast %scan3A_164 : i32 to index
        %get3A_166 = arith.constant 0 : index
        %get3A_167 = tpu.vector_load %arg8[%get3A_165, %get3A_166] {strides = array<i32>} : memref<400x64xi32, #tpu.memory_space<vmem>>, vector<16xi32>,
        %bitcast3A_168 = vector.bitcast %get3A_167 : vector<16xi32> to vector<32xbf16>
        %get3A_169 = arith.index_cast %scan3A_164 : i32 to index
        %get3A_170 = arith.constant 0 : index
        %get3A_171 = tpu.vector_load %arg9[%get3A_169, %get3A_170] {strides = array<i32>} : memref<400x64xi32, #tpu.memory_space<vmem>>, vector<16xi32>,
        %bitcast3A_172 = vector.bitcast %get3A_171 : vector<16xi32> to vector<32xbf16>
        %mul3A_173 = arith.mulf %bitcast3A_168, %bitcast3A_172 : vector<32xbf16>
        %get3A_174 = arith.index_cast %scan3A_164 : i32 to index
        %get3A_175 = arith.constant 16 : index
        %get3A_176 = tpu.vector_load %arg8[%get3A_174, %get3A_175] {strides = array<i32>} : memref<400x64xi32, #tpu.memory_space<vmem>>, vector<16xi32>,
        %bitcast3A_177 = vector.bitcast %get3A_176 : vector<16xi32> to vector<32xbf16>
        %get3A_178 = arith.index_cast %scan3A_164 : i32 to index
        %get3A_179 = arith.constant 16 : index
        %get3A_180 = tpu.vector_load %arg9[%get3A_178, %get3A_179] {strides = array<i32>} : memref<400x64xi32, #tpu.memory_space<vmem>>, vector<16xi32>,
        %bitcast3A_181 = vector.bitcast %get3A_180 : vector<16xi32> to vector<32xbf16>
        %mul3A_182 = arith.mulf %bitcast3A_177, %bitcast3A_181 : vector<32xbf16>
        %add3A_183 = arith.addf %mul3A_173, %mul3A_182 : vector<32xbf16>
        %get3A_184 = arith.index_cast %scan3A_164 : i32 to index
        %get3A_185 = arith.constant 32 : index
        %get3A_186 = tpu.vector_load %arg8[%get3A_184, %get3A_185] {strides = array<i32>} : memref<400x64xi32, #tpu.memory_space<vmem>>, vector<16xi32>,
        %bitcast3A_187 = vector.bitcast %get3A_186 : vector<16xi32> to vector<32xbf16>
        %get3A_188 = arith.index_cast %scan3A_164 : i32 to index
        %get3A_189 = arith.constant 32 : index
        %get3A_190 = tpu.vector_load %arg9[%get3A_188, %get3A_189] {strides = array<i32>} : memref<400x64xi32, #tpu.memory_space<vmem>>, vector<16xi32>,
        %bitcast3A_191 = vector.bitcast %get3A_190 : vector<16xi32> to vector<32xbf16>
        %mul3A_192 = arith.mulf %bitcast3A_187, %bitcast3A_191 : vector<32xbf16>
        %add3A_193 = arith.addf %add3A_183, %mul3A_192 : vector<32xbf16>
        %get3A_194 = arith.index_cast %scan3A_164 : i32 to index
        %get3A_195 = arith.constant 48 : index
        %get3A_196 = tpu.vector_load %arg8[%get3A_194, %get3A_195] {strides = array<i32>} : memref<400x64xi32, #tpu.memory_space<vmem>>, vector<16xi32>,
        %bitcast3A_197 = vector.bitcast %get3A_196 : vector<16xi32> to vector<32xbf16>
        %get3A_198 = arith.index_cast %scan3A_164 : i32 to index
        %get3A_199 = arith.constant 48 : index
        %get3A_200 = tpu.vector_load %arg9[%get3A_198, %get3A_199] {strides = array<i32>} : memref<400x64xi32, #tpu.memory_space<vmem>>, vector<16xi32>,
        %bitcast3A_201 = vector.bitcast %get3A_200 : vector<16xi32> to vector<32xbf16>
        %mul3A_202 = arith.mulf %bitcast3A_197, %bitcast3A_201 : vector<32xbf16>
        %add3A_203 = arith.addf %add3A_193, %mul3A_202 : vector<32xbf16>
        %unpack3A_204 = tpu.unpack_subelements %add3A_203, 0 {pack_format = #tpu.pack_format<interleaved>} : vector<32xbf16> -> vector<16xf32>
        %unpack3A_205 = tpu.unpack_subelements %add3A_203, 1 {pack_format = #tpu.pack_format<interleaved>} : vector<32xbf16> -> vector<16xf32>
        %add3A_206 = arith.addf %unpack3A_204, %unpack3A_205 : vector<16xf32>
        %broadcast_in_dim3A_207 = arith.constant true
        %broadcast_in_dim3A_208 = vector.broadcast %broadcast_in_dim3A_207 : i1 to vector<16xi1>
        %masked_cumsum3A_209 = tpu.scan <sum>, %add3A_206 masked %broadcast_in_dim3A_208 : vector<16xf32>, vector<16xi1> -> vector<16xf32>
        %broadcast_in_dim3A_210 = vector.broadcast %scan3A_164 : i32 to vector<16xi32>
        tpu.vector_store_idx %arg12[%broadcast_in_dim3A_210], %masked_cumsum3A_209 masked %eq3A_4 : memref<400xf32, #tpu.memory_space<vmem>>[vector<16xi32>], vector<16xf32>, vector<16xi1>
        %scan3A_211 = arith.constant 2 : i32
        %scan3A_212 = arith.addi %scan3A_121, %scan3A_211 : i32
        %get3A_213 = arith.index_cast %scan3A_212 : i32 to index
        %get3A_214 = arith.constant 0 : index
        %get3A_215 = tpu.vector_load %arg8[%get3A_213, %get3A_214] {strides = array<i32>} : memref<400x64xi32, #tpu.memory_space<vmem>>, vector<16xi32>,
        %bitcast3A_216 = vector.bitcast %get3A_215 : vector<16xi32> to vector<32xbf16>
        %get3A_217 = arith.index_cast %scan3A_212 : i32 to index
        %get3A_218 = arith.constant 0 : index
        %get3A_219 = tpu.vector_load %arg9[%get3A_217, %get3A_218] {strides = array<i32>} : memref<400x64xi32, #tpu.memory_space<vmem>>, vector<16xi32>,
        %bitcast3A_220 = vector.bitcast %get3A_219 : vector<16xi32> to vector<32xbf16>
        %mul3A_221 = arith.mulf %bitcast3A_216, %bitcast3A_220 : vector<32xbf16>
        %get3A_222 = arith.index_cast %scan3A_212 : i32 to index
        %get3A_223 = arith.constant 16 : index
        %get3A_224 = tpu.vector_load %arg8[%get3A_222, %get3A_223] {strides = array<i32>} : memref<400x64xi32, #tpu.memory_space<vmem>>, vector<16xi32>,
        %bitcast3A_225 = vector.bitcast %get3A_224 : vector<16xi32> to vector<32xbf16>
        %get3A_226 = arith.index_cast %scan3A_212 : i32 to index
        %get3A_227 = arith.constant 16 : index
        %get3A_228 = tpu.vector_load %arg9[%get3A_226, %get3A_227] {strides = array<i32>} : memref<400x64xi32, #tpu.memory_space<vmem>>, vector<16xi32>,
        %bitcast3A_229 = vector.bitcast %get3A_228 : vector<16xi32> to vector<32xbf16>
        %mul3A_230 = arith.mulf %bitcast3A_225, %bitcast3A_229 : vector<32xbf16>
        %add3A_231 = arith.addf %mul3A_221, %mul3A_230 : vector<32xbf16>
        %get3A_232 = arith.index_cast %scan3A_212 : i32 to index
        %get3A_233 = arith.constant 32 : index
        %get3A_234 = tpu.vector_load %arg8[%get3A_232, %get3A_233] {strides = array<i32>} : memref<400x64xi32, #tpu.memory_space<vmem>>, vector<16xi32>,
        %bitcast3A_235 = vector.bitcast %get3A_234 : vector<16xi32> to vector<32xbf16>
        %get3A_236 = arith.index_cast %scan3A_212 : i32 to index
        %get3A_237 = arith.constant 32 : index
        %get3A_238 = tpu.vector_load %arg9[%get3A_236, %get3A_237] {strides = array<i32>} : memref<400x64xi32, #tpu.memory_space<vmem>>, vector<16xi32>,
        %bitcast3A_239 = vector.bitcast %get3A_238 : vector<16xi32> to vector<32xbf16>
        %mul3A_240 = arith.mulf %bitcast3A_235, %bitcast3A_239 : vector<32xbf16>
        %add3A_241 = arith.addf %add3A_231, %mul3A_240 : vector<32xbf16>
        %get3A_242 = arith.index_cast %scan3A_212 : i32 to index
        %get3A_243 = arith.constant 48 : index
        %get3A_244 = tpu.vector_load %arg8[%get3A_242, %get3A_243] {strides = array<i32>} : memref<400x64xi32, #tpu.memory_space<vmem>>, vector<16xi32>,
        %bitcast3A_245 = vector.bitcast %get3A_244 : vector<16xi32> to vector<32xbf16>
        %get3A_246 = arith.index_cast %scan3A_212 : i32 to index
        %get3A_247 = arith.constant 48 : index
        %get3A_248 = tpu.vector_load %arg9[%get3A_246, %get3A_247] {strides = array<i32>} : memref<400x64xi32, #tpu.memory_space<vmem>>, vector<16xi32>,
        %bitcast3A_249 = vector.bitcast %get3A_248 : vector<16xi32> to vector<32xbf16>
        %mul3A_250 = arith.mulf %bitcast3A_245, %bitcast3A_249 : vector<32xbf16>
        %add3A_251 = arith.addf %add3A_241, %mul3A_250 : vector<32xbf16>
        %unpack3A_252 = tpu.unpack_subelements %add3A_251, 0 {pack_format = #tpu.pack_format<interleaved>} : vector<32xbf16> -> vector<16xf32>
        %unpack3A_253 = tpu.unpack_subelements %add3A_251, 1 {pack_format = #tpu.pack_format<interleaved>} : vector<32xbf16> -> vector<16xf32>
        %add3A_254 = arith.addf %unpack3A_252, %unpack3A_253 : vector<16xf32>
        %broadcast_in_dim3A_255 = arith.constant true
        %broadcast_in_dim3A_256 = vector.broadcast %broadcast_in_dim3A_255 : i1 to vector<16xi1>
        %masked_cumsum3A_257 = tpu.scan <sum>, %add3A_254 masked %broadcast_in_dim3A_256 : vector<16xf32>, vector<16xi1> -> vector<16xf32>
        %broadcast_in_dim3A_258 = vector.broadcast %scan3A_212 : i32 to vector<16xi32>
        tpu.vector_store_idx %arg12[%broadcast_in_dim3A_258], %masked_cumsum3A_257 masked %eq3A_4 : memref<400xf32, #tpu.memory_space<vmem>>[vector<16xi32>], vector<16xf32>, vector<16xi1>
        %scan3A_259 = arith.constant 3 : i32
        %scan3A_260 = arith.addi %scan3A_121, %scan3A_259 : i32
        %get3A_261 = arith.index_cast %scan3A_260 : i32 to index
        %get3A_262 = arith.constant 0 : index
        %get3A_263 = tpu.vector_load %arg8[%get3A_261, %get3A_262] {strides = array<i32>} : memref<400x64xi32, #tpu.memory_space<vmem>>, vector<16xi32>,
        %bitcast3A_264 = vector.bitcast %get3A_263 : vector<16xi32> to vector<32xbf16>
        %get3A_265 = arith.index_cast %scan3A_260 : i32 to index
        %get3A_266 = arith.constant 0 : index
        %get3A_267 = tpu.vector_load %arg9[%get3A_265, %get3A_266] {strides = array<i32>} : memref<400x64xi32, #tpu.memory_space<vmem>>, vector<16xi32>,
        %bitcast3A_268 = vector.bitcast %get3A_267 : vector<16xi32> to vector<32xbf16>
        %mul3A_269 = arith.mulf %bitcast3A_264, %bitcast3A_268 : vector<32xbf16>
        %get3A_270 = arith.index_cast %scan3A_260 : i32 to index
        %get3A_271 = arith.constant 16 : index
        %get3A_272 = tpu.vector_load %arg8[%get3A_270, %get3A_271] {strides = array<i32>} : memref<400x64xi32, #tpu.memory_space<vmem>>, vector<16xi32>,
        %bitcast3A_273 = vector.bitcast %get3A_272 : vector<16xi32> to vector<32xbf16>
        %get3A_274 = arith.index_cast %scan3A_260 : i32 to index
        %get3A_275 = arith.constant 16 : index
        %get3A_276 = tpu.vector_load %arg9[%get3A_274, %get3A_275] {strides = array<i32>} : memref<400x64xi32, #tpu.memory_space<vmem>>, vector<16xi32>,
        %bitcast3A_277 = vector.bitcast %get3A_276 : vector<16xi32> to vector<32xbf16>
        %mul3A_278 = arith.mulf %bitcast3A_273, %bitcast3A_277 : vector<32xbf16>
        %add3A_279 = arith.addf %mul3A_269, %mul3A_278 : vector<32xbf16>
        %get3A_280 = arith.index_cast %scan3A_260 : i32 to index
        %get3A_281 = arith.constant 32 : index
        %get3A_282 = tpu.vector_load %arg8[%get3A_280, %get3A_281] {strides = array<i32>} : memref<400x64xi32, #tpu.memory_space<vmem>>, vector<16xi32>,
        %bitcast3A_283 = vector.bitcast %get3A_282 : vector<16xi32> to vector<32xbf16>
        %get3A_284 = arith.index_cast %scan3A_260 : i32 to index
        %get3A_285 = arith.constant 32 : index
        %get3A_286 = tpu.vector_load %arg9[%get3A_284, %get3A_285] {strides = array<i32>} : memref<400x64xi32, #tpu.memory_space<vmem>>, vector<16xi32>,
        %bitcast3A_287 = vector.bitcast %get3A_286 : vector<16xi32> to vector<32xbf16>
        %mul3A_288 = arith.mulf %bitcast3A_283, %bitcast3A_287 : vector<32xbf16>
        %add3A_289 = arith.addf %add3A_279, %mul3A_288 : vector<32xbf16>
        %get3A_290 = arith.index_cast %scan3A_260 : i32 to index
        %get3A_291 = arith.constant 48 : index
        %get3A_292 = tpu.vector_load %arg8[%get3A_290, %get3A_291] {strides = array<i32>} : memref<400x64xi32, #tpu.memory_space<vmem>>, vector<16xi32>,
        %bitcast3A_293 = vector.bitcast %get3A_292 : vector<16xi32> to vector<32xbf16>
        %get3A_294 = arith.index_cast %scan3A_260 : i32 to index
        %get3A_295 = arith.constant 48 : index
        %get3A_296 = tpu.vector_load %arg9[%get3A_294, %get3A_295] {strides = array<i32>} : memref<400x64xi32, #tpu.memory_space<vmem>>, vector<16xi32>,
        %bitcast3A_297 = vector.bitcast %get3A_296 : vector<16xi32> to vector<32xbf16>
        %mul3A_298 = arith.mulf %bitcast3A_293, %bitcast3A_297 : vector<32xbf16>
        %add3A_299 = arith.addf %add3A_289, %mul3A_298 : vector<32xbf16>
        %unpack3A_300 = tpu.unpack_subelements %add3A_299, 0 {pack_format = #tpu.pack_format<interleaved>} : vector<32xbf16> -> vector<16xf32>
        %unpack3A_301 = tpu.unpack_subelements %add3A_299, 1 {pack_format = #tpu.pack_format<interleaved>} : vector<32xbf16> -> vector<16xf32>
        %add3A_302 = arith.addf %unpack3A_300, %unpack3A_301 : vector<16xf32>
        %broadcast_in_dim3A_303 = arith.constant true
        %broadcast_in_dim3A_304 = vector.broadcast %broadcast_in_dim3A_303 : i1 to vector<16xi1>
        %masked_cumsum3A_305 = tpu.scan <sum>, %add3A_302 masked %broadcast_in_dim3A_304 : vector<16xf32>, vector<16xi1> -> vector<16xf32>
        %broadcast_in_dim3A_306 = vector.broadcast %scan3A_260 : i32 to vector<16xi32>
        tpu.vector_store_idx %arg12[%broadcast_in_dim3A_306], %masked_cumsum3A_305 masked %eq3A_4 : memref<400xf32, #tpu.memory_space<vmem>>[vector<16xi32>], vector<16xf32>, vector<16xi1>
      }
      %scan3A_72 = arith.constant 400 : i32
      %scan3A_73 = arith.constant 0 : i32
      %scan3A_74 = arith.constant 0 : i32
      %scan3A_75 = arith.constant 25 : i32
      %scan3A_76 = arith.addi %scan3A_74, %scan3A_75 : i32
      %scan3A_77 = arith.constant 1 : i32
      scf.for %scan3A_121 = %scan3A_74 to %scan3A_76 step %scan3A_77  : i32 {
        %mul3A_122 = arith.constant 16 : i32
        %mul3A_123 = arith.muli %scan3A_121, %mul3A_122 : i32
        %get3A = arith.index_cast %mul3A_123 : i32 to index
        %get3A_124 = tpu.vector_load %arg12[%get3A] {strides = array<i32>} : memref<400xf32, #tpu.memory_space<vmem>>, vector<16xf32>,
        %add3A_125 = arith.constant 0.00320545211 : f32
        %add3A_126 = vector.broadcast %add3A_125 : f32 to vector<16xf32>
        %add3A_127 = arith.addf %get3A_124, %add3A_126 : vector<16xf32>
        %neg3A = arith.constant 0.000000e+00 : f32
        %neg3A_128 = vector.broadcast %neg3A : f32 to vector<16xf32>
        %neg3A_129 = arith.subf %neg3A_128, %add3A_127 : vector<16xf32>
        %exp3A = math.exp %neg3A_129 : vector<16xf32>
        %sub3A = arith.constant 1.000000e+00 : f32
        %sub3A_130 = vector.broadcast %sub3A : f32 to vector<16xf32>
        %sub3A_131 = arith.subf %sub3A_130, %exp3A : vector<16xf32>
        %mul3A_132 = arith.constant 16 : i32
        %mul3A_133 = arith.muli %scan3A_121, %mul3A_132 : i32
        %swap3A = arith.index_cast %mul3A_133 : i32 to index
        %swap3A_134 = tpu.vector_load %arg13[%swap3A] {strides = array<i32>} : memref<400xf32, #tpu.memory_space<vmem>>, vector<16xf32>,
        tpu.vector_store %arg13[%swap3A], %sub3A_131 {strides = array<i32>} : memref<400xf32, #tpu.memory_space<vmem>>, vector<16xf32>,
      }
      %scan3A_78 = arith.constant 25 : i32
      %mul3A_79 = arith.constant 400 : i32
      %mul3A_80 = arith.muli %mul3A_44, %mul3A_79 : i32
      %add3A_81 = arith.addi %mul3A_2, %mul3A_80 : i32
      "tpu.region"() ({
        %run_scoped3A = tpu.sem_alloc : memref<!tpu.dma_semaphore, #tpu.memory_space<semaphore_mem>>
        %dma_start3A_121 = tpu.memref_slice %arg5[%add3A_81] : memref<320000xf32, #tpu.memory_space<hbm>> -> memref<400xf32, #tpu.memory_space<hbm>>
        %dma_start3A_122 = tpu.memref_slice %arg5[%add3A_81] : memref<320000xf32, #tpu.memory_space<hbm>> -> memref<400xf32, #tpu.memory_space<hbm>>
        tpu.enqueue_dma source(%arg13 : memref<400xf32, #tpu.memory_space<vmem>>) target(%dma_start3A_122 : memref<400xf32, #tpu.memory_space<hbm>>) target_semaphore(%run_scoped3A : memref<!tpu.dma_semaphore, #tpu.memory_space<semaphore_mem>>)
        %dma_wait3A_123 = tpu.memref_slice %arg5[%add3A_81] : memref<320000xf32, #tpu.memory_space<hbm>> -> memref<400xf32, #tpu.memory_space<hbm>>
        %dma_wait3A_124 = tpu.memref_slice %arg5[%add3A_81] : memref<320000xf32, #tpu.memory_space<hbm>> -> memref<400xf32, #tpu.memory_space<hbm>>
        tpu.wait_dma2 semaphore(%run_scoped3A : memref<!tpu.dma_semaphore, #tpu.memory_space<semaphore_mem>>) src(%arg13 : memref<400xf32, #tpu.memory_space<vmem>>) dst(%dma_wait3A_124 : memref<400xf32, #tpu.memory_space<hbm>>)
        tpu.yield
      }) : () -> ()
      %add3A_82 = arith.constant 2 : i32
      %add3A_83 = arith.addi %mul3A_44, %add3A_82 : i32
      %mul3A_84 = arith.constant 400 : i32
      %mul3A_85 = arith.muli %add3A_83, %mul3A_84 : i32
      %dma_start3A_86 = tpu.memref_slice %arg6[%mul3A_85] : memref<10000xi32, #tpu.memory_space<vmem>> -> memref<400xi32, #tpu.memory_space<vmem>>
      %dma_start3A_87 = arith.constant 0 : i32
      %dma_start3A_88 = arith.constant 0 : i32
      %dma_start3A_89 = tpu.memref_slice %arg2[%dma_start3A_87, %dma_start3A_88] : memref<10000x64xi32, #tpu.memory_space<hbm>> -> memref<10000x64xi32, #tpu.memory_space<hbm>>
      tpu.enqueue_indirect_dma source(%dma_start3A_89 : memref<10000x64xi32, #tpu.memory_space<hbm>>) target(%arg8 : memref<400x64xi32, #tpu.memory_space<vmem>>) offsets(%dma_start3A_86 : memref<400xi32, #tpu.memory_space<vmem>>) semaphore(%arg14 : memref<!tpu.dma_semaphore, #tpu.memory_space<semaphore_mem>>)
      %dma_start3A_90 = tpu.memref_slice %arg7[%mul3A_85] : memref<10000xi32, #tpu.memory_space<vmem>> -> memref<400xi32, #tpu.memory_space<vmem>>
      %dma_start3A_91 = arith.constant 0 : i32
      %dma_start3A_92 = arith.constant 0 : i32
      %dma_start3A_93 = tpu.memref_slice %arg2[%dma_start3A_91, %dma_start3A_92] : memref<10000x64xi32, #tpu.memory_space<hbm>> -> memref<10000x64xi32, #tpu.memory_space<hbm>>
      tpu.enqueue_indirect_dma source(%dma_start3A_93 : memref<10000x64xi32, #tpu.memory_space<hbm>>) target(%arg9 : memref<400x64xi32, #tpu.memory_space<vmem>>) offsets(%dma_start3A_90 : memref<400xi32, #tpu.memory_space<vmem>>) semaphore(%arg15 : memref<!tpu.dma_semaphore, #tpu.memory_space<semaphore_mem>>)
      %dma_wait3A_94 = arith.constant 0 : i32
      %dma_wait3A_95 = tpu.memref_slice %arg6[%dma_wait3A_94] : memref<10000xi32, #tpu.memory_space<vmem>> -> memref<400xi32, #tpu.memory_space<vmem>>
      %dma_wait3A_96 = arith.constant 0 : i32
      %dma_wait3A_97 = arith.constant 0 : i32
      %dma_wait3A_98 = tpu.memref_slice %arg2[%dma_wait3A_96, %dma_wait3A_97] : memref<10000x64xi32, #tpu.memory_space<hbm>> -> memref<10000x64xi32, #tpu.memory_space<hbm>>
      tpu.wait_indirect_dma semaphore(%arg16 : memref<!tpu.dma_semaphore, #tpu.memory_space<semaphore_mem>>) src(%dma_wait3A_98 : memref<10000x64xi32, #tpu.memory_space<hbm>>) dst(%arg10 : memref<400x64xi32, #tpu.memory_space<vmem>>)
      %dma_wait3A_99 = arith.constant 0 : i32
      %dma_wait3A_100 = tpu.memref_slice %arg7[%dma_wait3A_99] : memref<10000xi32, #tpu.memory_space<vmem>> -> memref<400xi32, #tpu.memory_space<vmem>>
      %dma_wait3A_101 = arith.constant 0 : i32
      %dma_wait3A_102 = arith.constant 0 : i32
      %dma_wait3A_103 = tpu.memref_slice %arg2[%dma_wait3A_101, %dma_wait3A_102] : memref<10000x64xi32, #tpu.memory_space<hbm>> -> memref<10000x64xi32, #tpu.memory_space<hbm>>
      tpu.wait_indirect_dma semaphore(%arg17 : memref<!tpu.dma_semaphore, #tpu.memory_space<semaphore_mem>>) src(%dma_wait3A_103 : memref<10000x64xi32, #tpu.memory_space<hbm>>) dst(%arg11 : memref<400x64xi32, #tpu.memory_space<vmem>>)
      %add3A_104 = arith.constant 1 : i32
      %add3A_105 = arith.addi %mul3A_44, %add3A_104 : i32
      %scan3A_106 = arith.constant 0 : i32
      %scan3A_107 = arith.constant 0 : i32
      %scan3A_108 = arith.constant 400 : i32
      %scan3A_109 = arith.addi %scan3A_107, %scan3A_108 : i32
      %scan3A_110 = arith.constant 4 : i32
      scf.for %scan3A_121 = %scan3A_107 to %scan3A_109 step %scan3A_110  : i32 {
        %get3A = arith.index_cast %scan3A_121 : i32 to index
        %get3A_122 = arith.constant 0 : index
        %get3A_123 = tpu.vector_load %arg10[%get3A, %get3A_122] {strides = array<i32>} : memref<400x64xi32, #tpu.memory_space<vmem>>, vector<16xi32>,
        %bitcast3A = vector.bitcast %get3A_123 : vector<16xi32> to vector<32xbf16>
        %get3A_124 = arith.index_cast %scan3A_121 : i32 to index
        %get3A_125 = arith.constant 0 : index
        %get3A_126 = tpu.vector_load %arg11[%get3A_124, %get3A_125] {strides = array<i32>} : memref<400x64xi32, #tpu.memory_space<vmem>>, vector<16xi32>,
        %bitcast3A_127 = vector.bitcast %get3A_126 : vector<16xi32> to vector<32xbf16>
        %mul3A_128 = arith.mulf %bitcast3A, %bitcast3A_127 : vector<32xbf16>
        %get3A_129 = arith.index_cast %scan3A_121 : i32 to index
        %get3A_130 = arith.constant 16 : index
        %get3A_131 = tpu.vector_load %arg10[%get3A_129, %get3A_130] {strides = array<i32>} : memref<400x64xi32, #tpu.memory_space<vmem>>, vector<16xi32>,
        %bitcast3A_132 = vector.bitcast %get3A_131 : vector<16xi32> to vector<32xbf16>
        %get3A_133 = arith.index_cast %scan3A_121 : i32 to index
        %get3A_134 = arith.constant 16 : index
        %get3A_135 = tpu.vector_load %arg11[%get3A_133, %get3A_134] {strides = array<i32>} : memref<400x64xi32, #tpu.memory_space<vmem>>, vector<16xi32>,
        %bitcast3A_136 = vector.bitcast %get3A_135 : vector<16xi32> to vector<32xbf16>
        %mul3A_137 = arith.mulf %bitcast3A_132, %bitcast3A_136 : vector<32xbf16>
        %add3A_138 = arith.addf %mul3A_128, %mul3A_137 : vector<32xbf16>
        %get3A_139 = arith.index_cast %scan3A_121 : i32 to index
        %get3A_140 = arith.constant 32 : index
        %get3A_141 = tpu.vector_load %arg10[%get3A_139, %get3A_140] {strides = array<i32>} : memref<400x64xi32, #tpu.memory_space<vmem>>, vector<16xi32>,
        %bitcast3A_142 = vector.bitcast %get3A_141 : vector<16xi32> to vector<32xbf16>
        %get3A_143 = arith.index_cast %scan3A_121 : i32 to index
        %get3A_144 = arith.constant 32 : index
        %get3A_145 = tpu.vector_load %arg11[%get3A_143, %get3A_144] {strides = array<i32>} : memref<400x64xi32, #tpu.memory_space<vmem>>, vector<16xi32>,
        %bitcast3A_146 = vector.bitcast %get3A_145 : vector<16xi32> to vector<32xbf16>
        %mul3A_147 = arith.mulf %bitcast3A_142, %bitcast3A_146 : vector<32xbf16>
        %add3A_148 = arith.addf %add3A_138, %mul3A_147 : vector<32xbf16>
        %get3A_149 = arith.index_cast %scan3A_121 : i32 to index
        %get3A_150 = arith.constant 48 : index
        %get3A_151 = tpu.vector_load %arg10[%get3A_149, %get3A_150] {strides = array<i32>} : memref<400x64xi32, #tpu.memory_space<vmem>>, vector<16xi32>,
        %bitcast3A_152 = vector.bitcast %get3A_151 : vector<16xi32> to vector<32xbf16>
        %get3A_153 = arith.index_cast %scan3A_121 : i32 to index
        %get3A_154 = arith.constant 48 : index
        %get3A_155 = tpu.vector_load %arg11[%get3A_153, %get3A_154] {strides = array<i32>} : memref<400x64xi32, #tpu.memory_space<vmem>>, vector<16xi32>,
        %bitcast3A_156 = vector.bitcast %get3A_155 : vector<16xi32> to vector<32xbf16>
        %mul3A_157 = arith.mulf %bitcast3A_152, %bitcast3A_156 : vector<32xbf16>
        %add3A_158 = arith.addf %add3A_148, %mul3A_157 : vector<32xbf16>
        %unpack3A = tpu.unpack_subelements %add3A_158, 0 {pack_format = #tpu.pack_format<interleaved>} : vector<32xbf16> -> vector<16xf32>
        %unpack3A_159 = tpu.unpack_subelements %add3A_158, 1 {pack_format = #tpu.pack_format<interleaved>} : vector<32xbf16> -> vector<16xf32>
        %add3A_160 = arith.addf %unpack3A, %unpack3A_159 : vector<16xf32>
        %broadcast_in_dim3A = arith.constant true
        %broadcast_in_dim3A_161 = vector.broadcast %broadcast_in_dim3A : i1 to vector<16xi1>
        %masked_cumsum3A = tpu.scan <sum>, %add3A_160 masked %broadcast_in_dim3A_161 : vector<16xf32>, vector<16xi1> -> vector<16xf32>
        %broadcast_in_dim3A_162 = vector.broadcast %scan3A_121 : i32 to vector<16xi32>
        tpu.vector_store_idx %arg12[%broadcast_in_dim3A_162], %masked_cumsum3A masked %eq3A_4 : memref<400xf32, #tpu.memory_space<vmem>>[vector<16xi32>], vector<16xf32>, vector<16xi1>
        %scan3A_163 = arith.constant 1 : i32
        %scan3A_164 = arith.addi %scan3A_121, %scan3A_163 : i32
        %get3A_165 = arith.index_cast %scan3A_164 : i32 to index
        %get3A_166 = arith.constant 0 : index
        %get3A_167 = tpu.vector_load %arg10[%get3A_165, %get3A_166] {strides = array<i32>} : memref<400x64xi32, #tpu.memory_space<vmem>>, vector<16xi32>,
        %bitcast3A_168 = vector.bitcast %get3A_167 : vector<16xi32> to vector<32xbf16>
        %get3A_169 = arith.index_cast %scan3A_164 : i32 to index
        %get3A_170 = arith.constant 0 : index
        %get3A_171 = tpu.vector_load %arg11[%get3A_169, %get3A_170] {strides = array<i32>} : memref<400x64xi32, #tpu.memory_space<vmem>>, vector<16xi32>,
        %bitcast3A_172 = vector.bitcast %get3A_171 : vector<16xi32> to vector<32xbf16>
        %mul3A_173 = arith.mulf %bitcast3A_168, %bitcast3A_172 : vector<32xbf16>
        %get3A_174 = arith.index_cast %scan3A_164 : i32 to index
        %get3A_175 = arith.constant 16 : index
        %get3A_176 = tpu.vector_load %arg10[%get3A_174, %get3A_175] {strides = array<i32>} : memref<400x64xi32, #tpu.memory_space<vmem>>, vector<16xi32>,
        %bitcast3A_177 = vector.bitcast %get3A_176 : vector<16xi32> to vector<32xbf16>
        %get3A_178 = arith.index_cast %scan3A_164 : i32 to index
        %get3A_179 = arith.constant 16 : index
        %get3A_180 = tpu.vector_load %arg11[%get3A_178, %get3A_179] {strides = array<i32>} : memref<400x64xi32, #tpu.memory_space<vmem>>, vector<16xi32>,
        %bitcast3A_181 = vector.bitcast %get3A_180 : vector<16xi32> to vector<32xbf16>
        %mul3A_182 = arith.mulf %bitcast3A_177, %bitcast3A_181 : vector<32xbf16>
        %add3A_183 = arith.addf %mul3A_173, %mul3A_182 : vector<32xbf16>
        %get3A_184 = arith.index_cast %scan3A_164 : i32 to index
        %get3A_185 = arith.constant 32 : index
        %get3A_186 = tpu.vector_load %arg10[%get3A_184, %get3A_185] {strides = array<i32>} : memref<400x64xi32, #tpu.memory_space<vmem>>, vector<16xi32>,
        %bitcast3A_187 = vector.bitcast %get3A_186 : vector<16xi32> to vector<32xbf16>
        %get3A_188 = arith.index_cast %scan3A_164 : i32 to index
        %get3A_189 = arith.constant 32 : index
        %get3A_190 = tpu.vector_load %arg11[%get3A_188, %get3A_189] {strides = array<i32>} : memref<400x64xi32, #tpu.memory_space<vmem>>, vector<16xi32>,
        %bitcast3A_191 = vector.bitcast %get3A_190 : vector<16xi32> to vector<32xbf16>
        %mul3A_192 = arith.mulf %bitcast3A_187, %bitcast3A_191 : vector<32xbf16>
        %add3A_193 = arith.addf %add3A_183, %mul3A_192 : vector<32xbf16>
        %get3A_194 = arith.index_cast %scan3A_164 : i32 to index
        %get3A_195 = arith.constant 48 : index
        %get3A_196 = tpu.vector_load %arg10[%get3A_194, %get3A_195] {strides = array<i32>} : memref<400x64xi32, #tpu.memory_space<vmem>>, vector<16xi32>,
        %bitcast3A_197 = vector.bitcast %get3A_196 : vector<16xi32> to vector<32xbf16>
        %get3A_198 = arith.index_cast %scan3A_164 : i32 to index
        %get3A_199 = arith.constant 48 : index
        %get3A_200 = tpu.vector_load %arg11[%get3A_198, %get3A_199] {strides = array<i32>} : memref<400x64xi32, #tpu.memory_space<vmem>>, vector<16xi32>,
        %bitcast3A_201 = vector.bitcast %get3A_200 : vector<16xi32> to vector<32xbf16>
        %mul3A_202 = arith.mulf %bitcast3A_197, %bitcast3A_201 : vector<32xbf16>
        %add3A_203 = arith.addf %add3A_193, %mul3A_202 : vector<32xbf16>
        %unpack3A_204 = tpu.unpack_subelements %add3A_203, 0 {pack_format = #tpu.pack_format<interleaved>} : vector<32xbf16> -> vector<16xf32>
        %unpack3A_205 = tpu.unpack_subelements %add3A_203, 1 {pack_format = #tpu.pack_format<interleaved>} : vector<32xbf16> -> vector<16xf32>
        %add3A_206 = arith.addf %unpack3A_204, %unpack3A_205 : vector<16xf32>
        %broadcast_in_dim3A_207 = arith.constant true
        %broadcast_in_dim3A_208 = vector.broadcast %broadcast_in_dim3A_207 : i1 to vector<16xi1>
        %masked_cumsum3A_209 = tpu.scan <sum>, %add3A_206 masked %broadcast_in_dim3A_208 : vector<16xf32>, vector<16xi1> -> vector<16xf32>
        %broadcast_in_dim3A_210 = vector.broadcast %scan3A_164 : i32 to vector<16xi32>
        tpu.vector_store_idx %arg12[%broadcast_in_dim3A_210], %masked_cumsum3A_209 masked %eq3A_4 : memref<400xf32, #tpu.memory_space<vmem>>[vector<16xi32>], vector<16xf32>, vector<16xi1>
        %scan3A_211 = arith.constant 2 : i32
        %scan3A_212 = arith.addi %scan3A_121, %scan3A_211 : i32
        %get3A_213 = arith.index_cast %scan3A_212 : i32 to index
        %get3A_214 = arith.constant 0 : index
        %get3A_215 = tpu.vector_load %arg10[%get3A_213, %get3A_214] {strides = array<i32>} : memref<400x64xi32, #tpu.memory_space<vmem>>, vector<16xi32>,
        %bitcast3A_216 = vector.bitcast %get3A_215 : vector<16xi32> to vector<32xbf16>
        %get3A_217 = arith.index_cast %scan3A_212 : i32 to index
        %get3A_218 = arith.constant 0 : index
        %get3A_219 = tpu.vector_load %arg11[%get3A_217, %get3A_218] {strides = array<i32>} : memref<400x64xi32, #tpu.memory_space<vmem>>, vector<16xi32>,
        %bitcast3A_220 = vector.bitcast %get3A_219 : vector<16xi32> to vector<32xbf16>
        %mul3A_221 = arith.mulf %bitcast3A_216, %bitcast3A_220 : vector<32xbf16>
        %get3A_222 = arith.index_cast %scan3A_212 : i32 to index
        %get3A_223 = arith.constant 16 : index
        %get3A_224 = tpu.vector_load %arg10[%get3A_222, %get3A_223] {strides = array<i32>} : memref<400x64xi32, #tpu.memory_space<vmem>>, vector<16xi32>,
        %bitcast3A_225 = vector.bitcast %get3A_224 : vector<16xi32> to vector<32xbf16>
        %get3A_226 = arith.index_cast %scan3A_212 : i32 to index
        %get3A_227 = arith.constant 16 : index
        %get3A_228 = tpu.vector_load %arg11[%get3A_226, %get3A_227] {strides = array<i32>} : memref<400x64xi32, #tpu.memory_space<vmem>>, vector<16xi32>,
        %bitcast3A_229 = vector.bitcast %get3A_228 : vector<16xi32> to vector<32xbf16>
        %mul3A_230 = arith.mulf %bitcast3A_225, %bitcast3A_229 : vector<32xbf16>
        %add3A_231 = arith.addf %mul3A_221, %mul3A_230 : vector<32xbf16>
        %get3A_232 = arith.index_cast %scan3A_212 : i32 to index
        %get3A_233 = arith.constant 32 : index
        %get3A_234 = tpu.vector_load %arg10[%get3A_232, %get3A_233] {strides = array<i32>} : memref<400x64xi32, #tpu.memory_space<vmem>>, vector<16xi32>,
        %bitcast3A_235 = vector.bitcast %get3A_234 : vector<16xi32> to vector<32xbf16>
        %get3A_236 = arith.index_cast %scan3A_212 : i32 to index
        %get3A_237 = arith.constant 32 : index
        %get3A_238 = tpu.vector_load %arg11[%get3A_236, %get3A_237] {strides = array<i32>} : memref<400x64xi32, #tpu.memory_space<vmem>>, vector<16xi32>,
        %bitcast3A_239 = vector.bitcast %get3A_238 : vector<16xi32> to vector<32xbf16>
        %mul3A_240 = arith.mulf %bitcast3A_235, %bitcast3A_239 : vector<32xbf16>
        %add3A_241 = arith.addf %add3A_231, %mul3A_240 : vector<32xbf16>
        %get3A_242 = arith.index_cast %scan3A_212 : i32 to index
        %get3A_243 = arith.constant 48 : index
        %get3A_244 = tpu.vector_load %arg10[%get3A_242, %get3A_243] {strides = array<i32>} : memref<400x64xi32, #tpu.memory_space<vmem>>, vector<16xi32>,
        %bitcast3A_245 = vector.bitcast %get3A_244 : vector<16xi32> to vector<32xbf16>
        %get3A_246 = arith.index_cast %scan3A_212 : i32 to index
        %get3A_247 = arith.constant 48 : index
        %get3A_248 = tpu.vector_load %arg11[%get3A_246, %get3A_247] {strides = array<i32>} : memref<400x64xi32, #tpu.memory_space<vmem>>, vector<16xi32>,
        %bitcast3A_249 = vector.bitcast %get3A_248 : vector<16xi32> to vector<32xbf16>
        %mul3A_250 = arith.mulf %bitcast3A_245, %bitcast3A_249 : vector<32xbf16>
        %add3A_251 = arith.addf %add3A_241, %mul3A_250 : vector<32xbf16>
        %unpack3A_252 = tpu.unpack_subelements %add3A_251, 0 {pack_format = #tpu.pack_format<interleaved>} : vector<32xbf16> -> vector<16xf32>
        %unpack3A_253 = tpu.unpack_subelements %add3A_251, 1 {pack_format = #tpu.pack_format<interleaved>} : vector<32xbf16> -> vector<16xf32>
        %add3A_254 = arith.addf %unpack3A_252, %unpack3A_253 : vector<16xf32>
        %broadcast_in_dim3A_255 = arith.constant true
        %broadcast_in_dim3A_256 = vector.broadcast %broadcast_in_dim3A_255 : i1 to vector<16xi1>
        %masked_cumsum3A_257 = tpu.scan <sum>, %add3A_254 masked %broadcast_in_dim3A_256 : vector<16xf32>, vector<16xi1> -> vector<16xf32>
        %broadcast_in_dim3A_258 = vector.broadcast %scan3A_212 : i32 to vector<16xi32>
        tpu.vector_store_idx %arg12[%broadcast_in_dim3A_258], %masked_cumsum3A_257 masked %eq3A_4 : memref<400xf32, #tpu.memory_space<vmem>>[vector<16xi32>], vector<16xf32>, vector<16xi1>
        %scan3A_259 = arith.constant 3 : i32
        %scan3A_260 = arith.addi %scan3A_121, %scan3A_259 : i32
        %get3A_261 = arith.index_cast %scan3A_260 : i32 to index
        %get3A_262 = arith.constant 0 : index
        %get3A_263 = tpu.vector_load %arg10[%get3A_261, %get3A_262] {strides = array<i32>} : memref<400x64xi32, #tpu.memory_space<vmem>>, vector<16xi32>,
        %bitcast3A_264 = vector.bitcast %get3A_263 : vector<16xi32> to vector<32xbf16>
        %get3A_265 = arith.index_cast %scan3A_260 : i32 to index
        %get3A_266 = arith.constant 0 : index
        %get3A_267 = tpu.vector_load %arg11[%get3A_265, %get3A_266] {strides = array<i32>} : memref<400x64xi32, #tpu.memory_space<vmem>>, vector<16xi32>,
        %bitcast3A_268 = vector.bitcast %get3A_267 : vector<16xi32> to vector<32xbf16>
        %mul3A_269 = arith.mulf %bitcast3A_264, %bitcast3A_268 : vector<32xbf16>
        %get3A_270 = arith.index_cast %scan3A_260 : i32 to index
        %get3A_271 = arith.constant 16 : index
        %get3A_272 = tpu.vector_load %arg10[%get3A_270, %get3A_271] {strides = array<i32>} : memref<400x64xi32, #tpu.memory_space<vmem>>, vector<16xi32>,
        %bitcast3A_273 = vector.bitcast %get3A_272 : vector<16xi32> to vector<32xbf16>
        %get3A_274 = arith.index_cast %scan3A_260 : i32 to index
        %get3A_275 = arith.constant 16 : index
        %get3A_276 = tpu.vector_load %arg11[%get3A_274, %get3A_275] {strides = array<i32>} : memref<400x64xi32, #tpu.memory_space<vmem>>, vector<16xi32>,
        %bitcast3A_277 = vector.bitcast %get3A_276 : vector<16xi32> to vector<32xbf16>
        %mul3A_278 = arith.mulf %bitcast3A_273, %bitcast3A_277 : vector<32xbf16>
        %add3A_279 = arith.addf %mul3A_269, %mul3A_278 : vector<32xbf16>
        %get3A_280 = arith.index_cast %scan3A_260 : i32 to index
        %get3A_281 = arith.constant 32 : index
        %get3A_282 = tpu.vector_load %arg10[%get3A_280, %get3A_281] {strides = array<i32>} : memref<400x64xi32, #tpu.memory_space<vmem>>, vector<16xi32>,
        %bitcast3A_283 = vector.bitcast %get3A_282 : vector<16xi32> to vector<32xbf16>
        %get3A_284 = arith.index_cast %scan3A_260 : i32 to index
        %get3A_285 = arith.constant 32 : index
        %get3A_286 = tpu.vector_load %arg11[%get3A_284, %get3A_285] {strides = array<i32>} : memref<400x64xi32, #tpu.memory_space<vmem>>, vector<16xi32>,
        %bitcast3A_287 = vector.bitcast %get3A_286 : vector<16xi32> to vector<32xbf16>
        %mul3A_288 = arith.mulf %bitcast3A_283, %bitcast3A_287 : vector<32xbf16>
        %add3A_289 = arith.addf %add3A_279, %mul3A_288 : vector<32xbf16>
        %get3A_290 = arith.index_cast %scan3A_260 : i32 to index
        %get3A_291 = arith.constant 48 : index
        %get3A_292 = tpu.vector_load %arg10[%get3A_290, %get3A_291] {strides = array<i32>} : memref<400x64xi32, #tpu.memory_space<vmem>>, vector<16xi32>,
        %bitcast3A_293 = vector.bitcast %get3A_292 : vector<16xi32> to vector<32xbf16>
        %get3A_294 = arith.index_cast %scan3A_260 : i32 to index
        %get3A_295 = arith.constant 48 : index
        %get3A_296 = tpu.vector_load %arg11[%get3A_294, %get3A_295] {strides = array<i32>} : memref<400x64xi32, #tpu.memory_space<vmem>>, vector<16xi32>,
        %bitcast3A_297 = vector.bitcast %get3A_296 : vector<16xi32> to vector<32xbf16>
        %mul3A_298 = arith.mulf %bitcast3A_293, %bitcast3A_297 : vector<32xbf16>
        %add3A_299 = arith.addf %add3A_289, %mul3A_298 : vector<32xbf16>
        %unpack3A_300 = tpu.unpack_subelements %add3A_299, 0 {pack_format = #tpu.pack_format<interleaved>} : vector<32xbf16> -> vector<16xf32>
        %unpack3A_301 = tpu.unpack_subelements %add3A_299, 1 {pack_format = #tpu.pack_format<interleaved>} : vector<32xbf16> -> vector<16xf32>
        %add3A_302 = arith.addf %unpack3A_300, %unpack3A_301 : vector<16xf32>
        %broadcast_in_dim3A_303 = arith.constant true
        %broadcast_in_dim3A_304 = vector.broadcast %broadcast_in_dim3A_303 : i1 to vector<16xi1>
        %masked_cumsum3A_305 = tpu.scan <sum>, %add3A_302 masked %broadcast_in_dim3A_304 : vector<16xf32>, vector<16xi1> -> vector<16xf32>
        %broadcast_in_dim3A_306 = vector.broadcast %scan3A_260 : i32 to vector<16xi32>
        tpu.vector_store_idx %arg12[%broadcast_in_dim3A_306], %masked_cumsum3A_305 masked %eq3A_4 : memref<400xf32, #tpu.memory_space<vmem>>[vector<16xi32>], vector<16xf32>, vector<16xi1>
      }
      %scan3A_111 = arith.constant 400 : i32
      %scan3A_112 = arith.constant 0 : i32
      %scan3A_113 = arith.constant 0 : i32
      %scan3A_114 = arith.constant 25 : i32
      %scan3A_115 = arith.addi %scan3A_113, %scan3A_114 : i32
      %scan3A_116 = arith.constant 1 : i32
      scf.for %scan3A_121 = %scan3A_113 to %scan3A_115 step %scan3A_116  : i32 {
        %mul3A_122 = arith.constant 16 : i32
        %mul3A_123 = arith.muli %scan3A_121, %mul3A_122 : i32
        %get3A = arith.index_cast %mul3A_123 : i32 to index
        %get3A_124 = tpu.vector_load %arg12[%get3A] {strides = array<i32>} : memref<400xf32, #tpu.memory_space<vmem>>, vector<16xf32>,
        %add3A_125 = arith.constant 0.00320545211 : f32
        %add3A_126 = vector.broadcast %add3A_125 : f32 to vector<16xf32>
        %add3A_127 = arith.addf %get3A_124, %add3A_126 : vector<16xf32>
        %neg3A = arith.constant 0.000000e+00 : f32
        %neg3A_128 = vector.broadcast %neg3A : f32 to vector<16xf32>
        %neg3A_129 = arith.subf %neg3A_128, %add3A_127 : vector<16xf32>
        %exp3A = math.exp %neg3A_129 : vector<16xf32>
        %sub3A = arith.constant 1.000000e+00 : f32
        %sub3A_130 = vector.broadcast %sub3A : f32 to vector<16xf32>
        %sub3A_131 = arith.subf %sub3A_130, %exp3A : vector<16xf32>
        %mul3A_132 = arith.constant 16 : i32
        %mul3A_133 = arith.muli %scan3A_121, %mul3A_132 : i32
        %swap3A = arith.index_cast %mul3A_133 : i32 to index
        %swap3A_134 = tpu.vector_load %arg13[%swap3A] {strides = array<i32>} : memref<400xf32, #tpu.memory_space<vmem>>, vector<16xf32>,
        tpu.vector_store %arg13[%swap3A], %sub3A_131 {strides = array<i32>} : memref<400xf32, #tpu.memory_space<vmem>>, vector<16xf32>,
      }
      %scan3A_117 = arith.constant 25 : i32
      %mul3A_118 = arith.constant 400 : i32
      %mul3A_119 = arith.muli %add3A_105, %mul3A_118 : i32
      %add3A_120 = arith.addi %mul3A_2, %mul3A_119 : i32
      "tpu.region"() ({
        %run_scoped3A = tpu.sem_alloc : memref<!tpu.dma_semaphore, #tpu.memory_space<semaphore_mem>>
        %dma_start3A_121 = tpu.memref_slice %arg5[%add3A_120] : memref<320000xf32, #tpu.memory_space<hbm>> -> memref<400xf32, #tpu.memory_space<hbm>>
        %dma_start3A_122 = tpu.memref_slice %arg5[%add3A_120] : memref<320000xf32, #tpu.memory_space<hbm>> -> memref<400xf32, #tpu.memory_space<hbm>>
        tpu.enqueue_dma source(%arg13 : memref<400xf32, #tpu.memory_space<vmem>>) target(%dma_start3A_122 : memref<400xf32, #tpu.memory_space<hbm>>) target_semaphore(%run_scoped3A : memref<!tpu.dma_semaphore, #tpu.memory_space<semaphore_mem>>)
        %dma_wait3A_123 = tpu.memref_slice %arg5[%add3A_120] : memref<320000xf32, #tpu.memory_space<hbm>> -> memref<400xf32, #tpu.memory_space<hbm>>
        %dma_wait3A_124 = tpu.memref_slice %arg5[%add3A_120] : memref<320000xf32, #tpu.memory_space<hbm>> -> memref<400xf32, #tpu.memory_space<hbm>>
        tpu.wait_dma2 semaphore(%run_scoped3A : memref<!tpu.dma_semaphore, #tpu.memory_space<semaphore_mem>>) src(%arg13 : memref<400xf32, #tpu.memory_space<vmem>>) dst(%dma_wait3A_124 : memref<400xf32, #tpu.memory_space<hbm>>)
        tpu.yield
      }) : () -> ()
    }
    %scan3A_18 = arith.constant 12 : i32
    %dma_wait3A = arith.constant 0 : i32
    %dma_wait3A_19 = tpu.memref_slice %arg6[%dma_wait3A] : memref<10000xi32, #tpu.memory_space<vmem>> -> memref<400xi32, #tpu.memory_space<vmem>>
    %dma_wait3A_20 = arith.constant 0 : i32
    %dma_wait3A_21 = arith.constant 0 : i32
    %dma_wait3A_22 = tpu.memref_slice %arg2[%dma_wait3A_20, %dma_wait3A_21] : memref<10000x64xi32, #tpu.memory_space<hbm>> -> memref<10000x64xi32, #tpu.memory_space<hbm>>
    tpu.wait_indirect_dma semaphore(%arg14 : memref<!tpu.dma_semaphore, #tpu.memory_space<semaphore_mem>>) src(%dma_wait3A_22 : memref<10000x64xi32, #tpu.memory_space<hbm>>) dst(%arg8 : memref<400x64xi32, #tpu.memory_space<vmem>>)
    %dma_wait3A_23 = arith.constant 0 : i32
    %dma_wait3A_24 = tpu.memref_slice %arg7[%dma_wait3A_23] : memref<10000xi32, #tpu.memory_space<vmem>> -> memref<400xi32, #tpu.memory_space<vmem>>
    %dma_wait3A_25 = arith.constant 0 : i32
    %dma_wait3A_26 = arith.constant 0 : i32
    %dma_wait3A_27 = tpu.memref_slice %arg2[%dma_wait3A_25, %dma_wait3A_26] : memref<10000x64xi32, #tpu.memory_space<hbm>> -> memref<10000x64xi32, #tpu.memory_space<hbm>>
    tpu.wait_indirect_dma semaphore(%arg15 : memref<!tpu.dma_semaphore, #tpu.memory_space<semaphore_mem>>) src(%dma_wait3A_27 : memref<10000x64xi32, #tpu.memory_space<hbm>>) dst(%arg9 : memref<400x64xi32, #tpu.memory_space<vmem>>)
    %scan3A_28 = arith.constant 0 : i32
    %scan3A_29 = arith.constant 0 : i32
    %scan3A_30 = arith.constant 400 : i32
    %scan3A_31 = arith.addi %scan3A_29, %scan3A_30 : i32
    %scan3A_32 = arith.constant 4 : i32
    scf.for %scan3A_42 = %scan3A_29 to %scan3A_31 step %scan3A_32  : i32 {
      %get3A = arith.index_cast %scan3A_42 : i32 to index
      %get3A_43 = arith.constant 0 : index
      %get3A_44 = tpu.vector_load %arg8[%get3A, %get3A_43] {strides = array<i32>} : memref<400x64xi32, #tpu.memory_space<vmem>>, vector<16xi32>,
      %bitcast3A = vector.bitcast %get3A_44 : vector<16xi32> to vector<32xbf16>
      %get3A_45 = arith.index_cast %scan3A_42 : i32 to index
      %get3A_46 = arith.constant 0 : index
      %get3A_47 = tpu.vector_load %arg9[%get3A_45, %get3A_46] {strides = array<i32>} : memref<400x64xi32, #tpu.memory_space<vmem>>, vector<16xi32>,
      %bitcast3A_48 = vector.bitcast %get3A_47 : vector<16xi32> to vector<32xbf16>
      %mul3A_49 = arith.mulf %bitcast3A, %bitcast3A_48 : vector<32xbf16>
      %get3A_50 = arith.index_cast %scan3A_42 : i32 to index
      %get3A_51 = arith.constant 16 : index
      %get3A_52 = tpu.vector_load %arg8[%get3A_50, %get3A_51] {strides = array<i32>} : memref<400x64xi32, #tpu.memory_space<vmem>>, vector<16xi32>,
      %bitcast3A_53 = vector.bitcast %get3A_52 : vector<16xi32> to vector<32xbf16>
      %get3A_54 = arith.index_cast %scan3A_42 : i32 to index
      %get3A_55 = arith.constant 16 : index
      %get3A_56 = tpu.vector_load %arg9[%get3A_54, %get3A_55] {strides = array<i32>} : memref<400x64xi32, #tpu.memory_space<vmem>>, vector<16xi32>,
      %bitcast3A_57 = vector.bitcast %get3A_56 : vector<16xi32> to vector<32xbf16>
      %mul3A_58 = arith.mulf %bitcast3A_53, %bitcast3A_57 : vector<32xbf16>
      %add3A_59 = arith.addf %mul3A_49, %mul3A_58 : vector<32xbf16>
      %get3A_60 = arith.index_cast %scan3A_42 : i32 to index
      %get3A_61 = arith.constant 32 : index
      %get3A_62 = tpu.vector_load %arg8[%get3A_60, %get3A_61] {strides = array<i32>} : memref<400x64xi32, #tpu.memory_space<vmem>>, vector<16xi32>,
      %bitcast3A_63 = vector.bitcast %get3A_62 : vector<16xi32> to vector<32xbf16>
      %get3A_64 = arith.index_cast %scan3A_42 : i32 to index
      %get3A_65 = arith.constant 32 : index
      %get3A_66 = tpu.vector_load %arg9[%get3A_64, %get3A_65] {strides = array<i32>} : memref<400x64xi32, #tpu.memory_space<vmem>>, vector<16xi32>,
      %bitcast3A_67 = vector.bitcast %get3A_66 : vector<16xi32> to vector<32xbf16>
      %mul3A_68 = arith.mulf %bitcast3A_63, %bitcast3A_67 : vector<32xbf16>
      %add3A_69 = arith.addf %add3A_59, %mul3A_68 : vector<32xbf16>
      %get3A_70 = arith.index_cast %scan3A_42 : i32 to index
      %get3A_71 = arith.constant 48 : index
      %get3A_72 = tpu.vector_load %arg8[%get3A_70, %get3A_71] {strides = array<i32>} : memref<400x64xi32, #tpu.memory_space<vmem>>, vector<16xi32>,
      %bitcast3A_73 = vector.bitcast %get3A_72 : vector<16xi32> to vector<32xbf16>
      %get3A_74 = arith.index_cast %scan3A_42 : i32 to index
      %get3A_75 = arith.constant 48 : index
      %get3A_76 = tpu.vector_load %arg9[%get3A_74, %get3A_75] {strides = array<i32>} : memref<400x64xi32, #tpu.memory_space<vmem>>, vector<16xi32>,
      %bitcast3A_77 = vector.bitcast %get3A_76 : vector<16xi32> to vector<32xbf16>
      %mul3A_78 = arith.mulf %bitcast3A_73, %bitcast3A_77 : vector<32xbf16>
      %add3A_79 = arith.addf %add3A_69, %mul3A_78 : vector<32xbf16>
      %unpack3A = tpu.unpack_subelements %add3A_79, 0 {pack_format = #tpu.pack_format<interleaved>} : vector<32xbf16> -> vector<16xf32>
      %unpack3A_80 = tpu.unpack_subelements %add3A_79, 1 {pack_format = #tpu.pack_format<interleaved>} : vector<32xbf16> -> vector<16xf32>
      %add3A_81 = arith.addf %unpack3A, %unpack3A_80 : vector<16xf32>
      %broadcast_in_dim3A = arith.constant true
      %broadcast_in_dim3A_82 = vector.broadcast %broadcast_in_dim3A : i1 to vector<16xi1>
      %masked_cumsum3A = tpu.scan <sum>, %add3A_81 masked %broadcast_in_dim3A_82 : vector<16xf32>, vector<16xi1> -> vector<16xf32>
      %broadcast_in_dim3A_83 = vector.broadcast %scan3A_42 : i32 to vector<16xi32>
      tpu.vector_store_idx %arg12[%broadcast_in_dim3A_83], %masked_cumsum3A masked %eq3A_4 : memref<400xf32, #tpu.memory_space<vmem>>[vector<16xi32>], vector<16xf32>, vector<16xi1>
      %scan3A_84 = arith.constant 1 : i32
      %scan3A_85 = arith.addi %scan3A_42, %scan3A_84 : i32
      %get3A_86 = arith.index_cast %scan3A_85 : i32 to index
      %get3A_87 = arith.constant 0 : index
      %get3A_88 = tpu.vector_load %arg8[%get3A_86, %get3A_87] {strides = array<i32>} : memref<400x64xi32, #tpu.memory_space<vmem>>, vector<16xi32>,
      %bitcast3A_89 = vector.bitcast %get3A_88 : vector<16xi32> to vector<32xbf16>
      %get3A_90 = arith.index_cast %scan3A_85 : i32 to index
      %get3A_91 = arith.constant 0 : index
      %get3A_92 = tpu.vector_load %arg9[%get3A_90, %get3A_91] {strides = array<i32>} : memref<400x64xi32, #tpu.memory_space<vmem>>, vector<16xi32>,
      %bitcast3A_93 = vector.bitcast %get3A_92 : vector<16xi32> to vector<32xbf16>
      %mul3A_94 = arith.mulf %bitcast3A_89, %bitcast3A_93 : vector<32xbf16>
      %get3A_95 = arith.index_cast %scan3A_85 : i32 to index
      %get3A_96 = arith.constant 16 : index
      %get3A_97 = tpu.vector_load %arg8[%get3A_95, %get3A_96] {strides = array<i32>} : memref<400x64xi32, #tpu.memory_space<vmem>>, vector<16xi32>,
      %bitcast3A_98 = vector.bitcast %get3A_97 : vector<16xi32> to vector<32xbf16>
      %get3A_99 = arith.index_cast %scan3A_85 : i32 to index
      %get3A_100 = arith.constant 16 : index
      %get3A_101 = tpu.vector_load %arg9[%get3A_99, %get3A_100] {strides = array<i32>} : memref<400x64xi32, #tpu.memory_space<vmem>>, vector<16xi32>,
      %bitcast3A_102 = vector.bitcast %get3A_101 : vector<16xi32> to vector<32xbf16>
      %mul3A_103 = arith.mulf %bitcast3A_98, %bitcast3A_102 : vector<32xbf16>
      %add3A_104 = arith.addf %mul3A_94, %mul3A_103 : vector<32xbf16>
      %get3A_105 = arith.index_cast %scan3A_85 : i32 to index
      %get3A_106 = arith.constant 32 : index
      %get3A_107 = tpu.vector_load %arg8[%get3A_105, %get3A_106] {strides = array<i32>} : memref<400x64xi32, #tpu.memory_space<vmem>>, vector<16xi32>,
      %bitcast3A_108 = vector.bitcast %get3A_107 : vector<16xi32> to vector<32xbf16>
      %get3A_109 = arith.index_cast %scan3A_85 : i32 to index
      %get3A_110 = arith.constant 32 : index
      %get3A_111 = tpu.vector_load %arg9[%get3A_109, %get3A_110] {strides = array<i32>} : memref<400x64xi32, #tpu.memory_space<vmem>>, vector<16xi32>,
      %bitcast3A_112 = vector.bitcast %get3A_111 : vector<16xi32> to vector<32xbf16>
      %mul3A_113 = arith.mulf %bitcast3A_108, %bitcast3A_112 : vector<32xbf16>
      %add3A_114 = arith.addf %add3A_104, %mul3A_113 : vector<32xbf16>
      %get3A_115 = arith.index_cast %scan3A_85 : i32 to index
      %get3A_116 = arith.constant 48 : index
      %get3A_117 = tpu.vector_load %arg8[%get3A_115, %get3A_116] {strides = array<i32>} : memref<400x64xi32, #tpu.memory_space<vmem>>, vector<16xi32>,
      %bitcast3A_118 = vector.bitcast %get3A_117 : vector<16xi32> to vector<32xbf16>
      %get3A_119 = arith.index_cast %scan3A_85 : i32 to index
      %get3A_120 = arith.constant 48 : index
      %get3A_121 = tpu.vector_load %arg9[%get3A_119, %get3A_120] {strides = array<i32>} : memref<400x64xi32, #tpu.memory_space<vmem>>, vector<16xi32>,
      %bitcast3A_122 = vector.bitcast %get3A_121 : vector<16xi32> to vector<32xbf16>
      %mul3A_123 = arith.mulf %bitcast3A_118, %bitcast3A_122 : vector<32xbf16>
      %add3A_124 = arith.addf %add3A_114, %mul3A_123 : vector<32xbf16>
      %unpack3A_125 = tpu.unpack_subelements %add3A_124, 0 {pack_format = #tpu.pack_format<interleaved>} : vector<32xbf16> -> vector<16xf32>
      %unpack3A_126 = tpu.unpack_subelements %add3A_124, 1 {pack_format = #tpu.pack_format<interleaved>} : vector<32xbf16> -> vector<16xf32>
      %add3A_127 = arith.addf %unpack3A_125, %unpack3A_126 : vector<16xf32>
      %broadcast_in_dim3A_128 = arith.constant true
      %broadcast_in_dim3A_129 = vector.broadcast %broadcast_in_dim3A_128 : i1 to vector<16xi1>
      %masked_cumsum3A_130 = tpu.scan <sum>, %add3A_127 masked %broadcast_in_dim3A_129 : vector<16xf32>, vector<16xi1> -> vector<16xf32>
      %broadcast_in_dim3A_131 = vector.broadcast %scan3A_85 : i32 to vector<16xi32>
      tpu.vector_store_idx %arg12[%broadcast_in_dim3A_131], %masked_cumsum3A_130 masked %eq3A_4 : memref<400xf32, #tpu.memory_space<vmem>>[vector<16xi32>], vector<16xf32>, vector<16xi1>
      %scan3A_132 = arith.constant 2 : i32
      %scan3A_133 = arith.addi %scan3A_42, %scan3A_132 : i32
      %get3A_134 = arith.index_cast %scan3A_133 : i32 to index
      %get3A_135 = arith.constant 0 : index
      %get3A_136 = tpu.vector_load %arg8[%get3A_134, %get3A_135] {strides = array<i32>} : memref<400x64xi32, #tpu.memory_space<vmem>>, vector<16xi32>,
      %bitcast3A_137 = vector.bitcast %get3A_136 : vector<16xi32> to vector<32xbf16>
      %get3A_138 = arith.index_cast %scan3A_133 : i32 to index
      %get3A_139 = arith.constant 0 : index
      %get3A_140 = tpu.vector_load %arg9[%get3A_138, %get3A_139] {strides = array<i32>} : memref<400x64xi32, #tpu.memory_space<vmem>>, vector<16xi32>,
      %bitcast3A_141 = vector.bitcast %get3A_140 : vector<16xi32> to vector<32xbf16>
      %mul3A_142 = arith.mulf %bitcast3A_137, %bitcast3A_141 : vector<32xbf16>
      %get3A_143 = arith.index_cast %scan3A_133 : i32 to index
      %get3A_144 = arith.constant 16 : index
      %get3A_145 = tpu.vector_load %arg8[%get3A_143, %get3A_144] {strides = array<i32>} : memref<400x64xi32, #tpu.memory_space<vmem>>, vector<16xi32>,
      %bitcast3A_146 = vector.bitcast %get3A_145 : vector<16xi32> to vector<32xbf16>
      %get3A_147 = arith.index_cast %scan3A_133 : i32 to index
      %get3A_148 = arith.constant 16 : index
      %get3A_149 = tpu.vector_load %arg9[%get3A_147, %get3A_148] {strides = array<i32>} : memref<400x64xi32, #tpu.memory_space<vmem>>, vector<16xi32>,
      %bitcast3A_150 = vector.bitcast %get3A_149 : vector<16xi32> to vector<32xbf16>
      %mul3A_151 = arith.mulf %bitcast3A_146, %bitcast3A_150 : vector<32xbf16>
      %add3A_152 = arith.addf %mul3A_142, %mul3A_151 : vector<32xbf16>
      %get3A_153 = arith.index_cast %scan3A_133 : i32 to index
      %get3A_154 = arith.constant 32 : index
      %get3A_155 = tpu.vector_load %arg8[%get3A_153, %get3A_154] {strides = array<i32>} : memref<400x64xi32, #tpu.memory_space<vmem>>, vector<16xi32>,
      %bitcast3A_156 = vector.bitcast %get3A_155 : vector<16xi32> to vector<32xbf16>
      %get3A_157 = arith.index_cast %scan3A_133 : i32 to index
      %get3A_158 = arith.constant 32 : index
      %get3A_159 = tpu.vector_load %arg9[%get3A_157, %get3A_158] {strides = array<i32>} : memref<400x64xi32, #tpu.memory_space<vmem>>, vector<16xi32>,
      %bitcast3A_160 = vector.bitcast %get3A_159 : vector<16xi32> to vector<32xbf16>
      %mul3A_161 = arith.mulf %bitcast3A_156, %bitcast3A_160 : vector<32xbf16>
      %add3A_162 = arith.addf %add3A_152, %mul3A_161 : vector<32xbf16>
      %get3A_163 = arith.index_cast %scan3A_133 : i32 to index
      %get3A_164 = arith.constant 48 : index
      %get3A_165 = tpu.vector_load %arg8[%get3A_163, %get3A_164] {strides = array<i32>} : memref<400x64xi32, #tpu.memory_space<vmem>>, vector<16xi32>,
      %bitcast3A_166 = vector.bitcast %get3A_165 : vector<16xi32> to vector<32xbf16>
      %get3A_167 = arith.index_cast %scan3A_133 : i32 to index
      %get3A_168 = arith.constant 48 : index
      %get3A_169 = tpu.vector_load %arg9[%get3A_167, %get3A_168] {strides = array<i32>} : memref<400x64xi32, #tpu.memory_space<vmem>>, vector<16xi32>,
      %bitcast3A_170 = vector.bitcast %get3A_169 : vector<16xi32> to vector<32xbf16>
      %mul3A_171 = arith.mulf %bitcast3A_166, %bitcast3A_170 : vector<32xbf16>
      %add3A_172 = arith.addf %add3A_162, %mul3A_171 : vector<32xbf16>
      %unpack3A_173 = tpu.unpack_subelements %add3A_172, 0 {pack_format = #tpu.pack_format<interleaved>} : vector<32xbf16> -> vector<16xf32>
      %unpack3A_174 = tpu.unpack_subelements %add3A_172, 1 {pack_format = #tpu.pack_format<interleaved>} : vector<32xbf16> -> vector<16xf32>
      %add3A_175 = arith.addf %unpack3A_173, %unpack3A_174 : vector<16xf32>
      %broadcast_in_dim3A_176 = arith.constant true
      %broadcast_in_dim3A_177 = vector.broadcast %broadcast_in_dim3A_176 : i1 to vector<16xi1>
      %masked_cumsum3A_178 = tpu.scan <sum>, %add3A_175 masked %broadcast_in_dim3A_177 : vector<16xf32>, vector<16xi1> -> vector<16xf32>
      %broadcast_in_dim3A_179 = vector.broadcast %scan3A_133 : i32 to vector<16xi32>
      tpu.vector_store_idx %arg12[%broadcast_in_dim3A_179], %masked_cumsum3A_178 masked %eq3A_4 : memref<400xf32, #tpu.memory_space<vmem>>[vector<16xi32>], vector<16xf32>, vector<16xi1>
      %scan3A_180 = arith.constant 3 : i32
      %scan3A_181 = arith.addi %scan3A_42, %scan3A_180 : i32
      %get3A_182 = arith.index_cast %scan3A_181 : i32 to index
      %get3A_183 = arith.constant 0 : index
      %get3A_184 = tpu.vector_load %arg8[%get3A_182, %get3A_183] {strides = array<i32>} : memref<400x64xi32, #tpu.memory_space<vmem>>, vector<16xi32>,
      %bitcast3A_185 = vector.bitcast %get3A_184 : vector<16xi32> to vector<32xbf16>
      %get3A_186 = arith.index_cast %scan3A_181 : i32 to index
      %get3A_187 = arith.constant 0 : index
      %get3A_188 = tpu.vector_load %arg9[%get3A_186, %get3A_187] {strides = array<i32>} : memref<400x64xi32, #tpu.memory_space<vmem>>, vector<16xi32>,
      %bitcast3A_189 = vector.bitcast %get3A_188 : vector<16xi32> to vector<32xbf16>
      %mul3A_190 = arith.mulf %bitcast3A_185, %bitcast3A_189 : vector<32xbf16>
      %get3A_191 = arith.index_cast %scan3A_181 : i32 to index
      %get3A_192 = arith.constant 16 : index
      %get3A_193 = tpu.vector_load %arg8[%get3A_191, %get3A_192] {strides = array<i32>} : memref<400x64xi32, #tpu.memory_space<vmem>>, vector<16xi32>,
      %bitcast3A_194 = vector.bitcast %get3A_193 : vector<16xi32> to vector<32xbf16>
      %get3A_195 = arith.index_cast %scan3A_181 : i32 to index
      %get3A_196 = arith.constant 16 : index
      %get3A_197 = tpu.vector_load %arg9[%get3A_195, %get3A_196] {strides = array<i32>} : memref<400x64xi32, #tpu.memory_space<vmem>>, vector<16xi32>,
      %bitcast3A_198 = vector.bitcast %get3A_197 : vector<16xi32> to vector<32xbf16>
      %mul3A_199 = arith.mulf %bitcast3A_194, %bitcast3A_198 : vector<32xbf16>
      %add3A_200 = arith.addf %mul3A_190, %mul3A_199 : vector<32xbf16>
      %get3A_201 = arith.index_cast %scan3A_181 : i32 to index
      %get3A_202 = arith.constant 32 : index
      %get3A_203 = tpu.vector_load %arg8[%get3A_201, %get3A_202] {strides = array<i32>} : memref<400x64xi32, #tpu.memory_space<vmem>>, vector<16xi32>,
      %bitcast3A_204 = vector.bitcast %get3A_203 : vector<16xi32> to vector<32xbf16>
      %get3A_205 = arith.index_cast %scan3A_181 : i32 to index
      %get3A_206 = arith.constant 32 : index
      %get3A_207 = tpu.vector_load %arg9[%get3A_205, %get3A_206] {strides = array<i32>} : memref<400x64xi32, #tpu.memory_space<vmem>>, vector<16xi32>,
      %bitcast3A_208 = vector.bitcast %get3A_207 : vector<16xi32> to vector<32xbf16>
      %mul3A_209 = arith.mulf %bitcast3A_204, %bitcast3A_208 : vector<32xbf16>
      %add3A_210 = arith.addf %add3A_200, %mul3A_209 : vector<32xbf16>
      %get3A_211 = arith.index_cast %scan3A_181 : i32 to index
      %get3A_212 = arith.constant 48 : index
      %get3A_213 = tpu.vector_load %arg8[%get3A_211, %get3A_212] {strides = array<i32>} : memref<400x64xi32, #tpu.memory_space<vmem>>, vector<16xi32>,
      %bitcast3A_214 = vector.bitcast %get3A_213 : vector<16xi32> to vector<32xbf16>
      %get3A_215 = arith.index_cast %scan3A_181 : i32 to index
      %get3A_216 = arith.constant 48 : index
      %get3A_217 = tpu.vector_load %arg9[%get3A_215, %get3A_216] {strides = array<i32>} : memref<400x64xi32, #tpu.memory_space<vmem>>, vector<16xi32>,
      %bitcast3A_218 = vector.bitcast %get3A_217 : vector<16xi32> to vector<32xbf16>
      %mul3A_219 = arith.mulf %bitcast3A_214, %bitcast3A_218 : vector<32xbf16>
      %add3A_220 = arith.addf %add3A_210, %mul3A_219 : vector<32xbf16>
      %unpack3A_221 = tpu.unpack_subelements %add3A_220, 0 {pack_format = #tpu.pack_format<interleaved>} : vector<32xbf16> -> vector<16xf32>
      %unpack3A_222 = tpu.unpack_subelements %add3A_220, 1 {pack_format = #tpu.pack_format<interleaved>} : vector<32xbf16> -> vector<16xf32>
      %add3A_223 = arith.addf %unpack3A_221, %unpack3A_222 : vector<16xf32>
      %broadcast_in_dim3A_224 = arith.constant true
      %broadcast_in_dim3A_225 = vector.broadcast %broadcast_in_dim3A_224 : i1 to vector<16xi1>
      %masked_cumsum3A_226 = tpu.scan <sum>, %add3A_223 masked %broadcast_in_dim3A_225 : vector<16xf32>, vector<16xi1> -> vector<16xf32>
      %broadcast_in_dim3A_227 = vector.broadcast %scan3A_181 : i32 to vector<16xi32>
      tpu.vector_store_idx %arg12[%broadcast_in_dim3A_227], %masked_cumsum3A_226 masked %eq3A_4 : memref<400xf32, #tpu.memory_space<vmem>>[vector<16xi32>], vector<16xf32>, vector<16xi1>
    }
    %scan3A_33 = arith.constant 400 : i32
    %scan3A_34 = arith.constant 0 : i32
    %scan3A_35 = arith.constant 0 : i32
    %scan3A_36 = arith.constant 25 : i32
    %scan3A_37 = arith.addi %scan3A_35, %scan3A_36 : i32
    %scan3A_38 = arith.constant 1 : i32
    scf.for %scan3A_42 = %scan3A_35 to %scan3A_37 step %scan3A_38  : i32 {
      %mul3A_43 = arith.constant 16 : i32
      %mul3A_44 = arith.muli %scan3A_42, %mul3A_43 : i32
      %get3A = arith.index_cast %mul3A_44 : i32 to index
      %get3A_45 = tpu.vector_load %arg12[%get3A] {strides = array<i32>} : memref<400xf32, #tpu.memory_space<vmem>>, vector<16xf32>,
      %add3A_46 = arith.constant 0.00320545211 : f32
      %add3A_47 = vector.broadcast %add3A_46 : f32 to vector<16xf32>
      %add3A_48 = arith.addf %get3A_45, %add3A_47 : vector<16xf32>
      %neg3A = arith.constant 0.000000e+00 : f32
      %neg3A_49 = vector.broadcast %neg3A : f32 to vector<16xf32>
      %neg3A_50 = arith.subf %neg3A_49, %add3A_48 : vector<16xf32>
      %exp3A = math.exp %neg3A_50 : vector<16xf32>
      %sub3A = arith.constant 1.000000e+00 : f32
      %sub3A_51 = vector.broadcast %sub3A : f32 to vector<16xf32>
      %sub3A_52 = arith.subf %sub3A_51, %exp3A : vector<16xf32>
      %mul3A_53 = arith.constant 16 : i32
      %mul3A_54 = arith.muli %scan3A_42, %mul3A_53 : i32
      %swap3A = arith.index_cast %mul3A_54 : i32 to index
      %swap3A_55 = tpu.vector_load %arg13[%swap3A] {strides = array<i32>} : memref<400xf32, #tpu.memory_space<vmem>>, vector<16xf32>,
      tpu.vector_store %arg13[%swap3A], %sub3A_52 {strides = array<i32>} : memref<400xf32, #tpu.memory_space<vmem>>, vector<16xf32>,
    }
    %scan3A_39 = arith.constant 25 : i32
    %add3A_40 = arith.constant 9600 : i32
    %add3A_41 = arith.addi %mul3A_2, %add3A_40 : i32
    "tpu.region"() ({
      %run_scoped3A = tpu.sem_alloc : memref<!tpu.dma_semaphore, #tpu.memory_space<semaphore_mem>>
      %dma_start3A_42 = tpu.memref_slice %arg5[%add3A_41] : memref<320000xf32, #tpu.memory_space<hbm>> -> memref<400xf32, #tpu.memory_space<hbm>>
      %dma_start3A_43 = tpu.memref_slice %arg5[%add3A_41] : memref<320000xf32, #tpu.memory_space<hbm>> -> memref<400xf32, #tpu.memory_space<hbm>>
      tpu.enqueue_dma source(%arg13 : memref<400xf32, #tpu.memory_space<vmem>>) target(%dma_start3A_43 : memref<400xf32, #tpu.memory_space<hbm>>) target_semaphore(%run_scoped3A : memref<!tpu.dma_semaphore, #tpu.memory_space<semaphore_mem>>)
      %dma_wait3A_44 = tpu.memref_slice %arg5[%add3A_41] : memref<320000xf32, #tpu.memory_space<hbm>> -> memref<400xf32, #tpu.memory_space<hbm>>
      %dma_wait3A_45 = tpu.memref_slice %arg5[%add3A_41] : memref<320000xf32, #tpu.memory_space<hbm>> -> memref<400xf32, #tpu.memory_space<hbm>>
      tpu.wait_dma2 semaphore(%run_scoped3A : memref<!tpu.dma_semaphore, #tpu.memory_space<semaphore_mem>>) src(%arg13 : memref<400xf32, #tpu.memory_space<vmem>>) dst(%dma_wait3A_45 : memref<400xf32, #tpu.memory_space<hbm>>)
      tpu.yield
    }) : () -> ()
    return
  }
}

</mosaic_0001>

<sc_bundles>
// kernel: kernel.3.cloned.1.call-start
scs
__scs_entry_jumppad:
0x0: {  	(pc) =	sbr.rel $0x88, $3  }
0x1: {  	(tag) =	ssettag $0x0;
	lr =	simm.s32 $0x1  }
0x2: {  	[smem:$0x3F9F] =	sst lr;
	_ =	strace $0xD0000000  }
0x3: {  	_ = 	snop  }
0x4: {  	_ = 	snop  }
0x5: {  	_ = 	snop  }
0x6: {  	_ = 	snop  }
0x7: {  	_ = 	snop  }
__scs_overlays_trampoline_lowered:
0x8: {  	[smem:$0x3FAE] =	sst s0  }
0x9: {  	[smem:$0x3FAF] =	sst s1  }
0xa: {  	[smem:$0x3FB0] =	sst s2  }
0xb: {  	[smem:$0x3FB1] =	sst s3  }
0xc: {  	[smem:$0x3FB2] =	sst s4  }
0xd: {  	[smem:$0x3FB3] =	sst s5  }
0xe: {  	[smem:$0x3FB4] =	sst s6  }
0xf: {  	[smem:$0x3FB5] =	sst s7  }
0x10: {  	[smem:$0x3FB6] =	sst s8  }
0x11: {  	[smem:$0x3FB7] =	sst s9;
	s0 =	simm.s32 @!p0 $0x0  }
0x12: {  	s1 =	sld [smem:$0x3F9D];
	s0 =	simm.s32 @p0 $0x1  }
0x13: {  	[smem:$0x3FB8] =	sst s0;
	s0 =	simm.s32 @!p1 $0x0  }
0x14: {  	s2 =	sld [smem:$0x3F9C];
	s0 =	simm.s32 @p1 $0x1  }
0x15: {  	[smem:$0x3FB9] =	sst s0;
	s0 =	simm.s32 @!p2 $0x0  }
0x16: {  	s3 =	sld [smem:$0x3FDB];
	s0 =	simm.s32 @p2 $0x1  }
0x17: {  	s4 =	simm.s32 $0x1BF5;
	[smem:$0x3FBB] =	sst s0  }
0x18: {  	s0 =	sld [smem:$0x3F9E];
	_ =	swait.ge [sflag:s4], $0x0  }
0x19: {  	s7 =	sld [smem:$0x3F9F]  }
0x1a: {  	s8 =	sadd.s32 $0xFFFFE003, lr  }
0x1b: {  	s9 =	sadd.s32 $0xFFFFFEF7, lr;
	s5 =	simm.s32 $0xFFFFFFFF;
	p2 =	slt.u32 s8, $0xFFFFF086  }
0x1c: {  	p1 =	slt.u32 s9, $0xF7A;
	s5 =	simm.s32 @!p2 $0x0  }
0x1d: {  	s5 =	simm.s32 @p1 $0x1;
	p0 =	seq.s32 s7, s2  }
0x1e: {  	s7 =	smul.u32 @!p0 $0xF7A, s2;
	p2 =	seq.s32 @!p0 s5, $0x0  }
0x1f: {  	s9 =	smul.u32 $0xF7A, s1;
	s8 =	simm.s32 @!p0 $0x1BF5;
	p2 =	por !p2, p0  }
0x20: {  	[sflag:s8] =	ssyncset.s32 @!p0 $0xFFFFF086;
	s6 =	sadd.s32 @!p0 s3, s7;
	s7 =	simm.s32 @!p0 $0x108  }
0x21: {  	s3 =	sadd.s32 s3, s9;
	s6 =	sadd.s32 @!p0 $0x88, s6;
	s7 =	simm.s32 @p2 $0x1082  }
0x22: {  	[simem:s7], [sflag:s8] =	dma.local @!p0 [hbm:s6], $0xF7A  }
0x23: {  	s9 =	sor.u32 $0xD0000000, s2;
	s6 =	simm.s32 $0x108;
	_ =	swait.ge @!p0 [sflag:s8], $0x0  }
0x24: {  	s3 =	sadd.s32 $0x88, s3;
	s6 =	simm.s32 @!p1 $0x1082;
	[sflag:s4] =	ssyncset.s32 $0xFFFFF086  }
0x25: {  	[simem:s6], [sflag:s4] =	dma.local [hbm:s3], $0xF7A  }
0x26: {  	[smem:$0x3F9F] =	sst s1;
	(tag) =	ssettag s2;
	_ =	strace s9  }
0x27: {  	s1 =	sld [smem:$0x3FAF]  }
0x28: {  	s2 =	sld [smem:$0x3FB0]  }
0x29: {  	s4 =	sld [smem:$0x3FB2]  }
0x2a: {  	p0 =	seq.s32 s5, $0x0;
	s5 =	sld [smem:$0x3FB3]  }
0x2b: {  	s6 =	sld [smem:$0x3FB4]  }
0x2c: {  	s7 =	sld [smem:$0x3FB5]  }
0x2d: {  	s3 =	simm.s32 $0x108;
	s8 =	sld [smem:$0x3FB6]  }
0x2e: {  	s3 =	simm.s32 @!p0 $0x1082;
	s9 =	sld [smem:$0x3FB7]  }
0x2f: {  	lr =	sadd.s32 s0, s3;
	s0 =	sld [smem:$0x3FAE]  }
0x30: {  	s3 =	sld [smem:$0x3FB1]  }
0x31: {  	[smem:$0x3FBA] =	sst s10  }
0x32: {  	s10 =	sld [smem:$0x3FB8];
	_ =	sdelay $0x3  }
0x33: {  	p0 =	seq.s32 s10, $0x1;
	s10 =	sld [smem:$0x3FBA];
	_ =	sdelay $0x3  }
0x34: {  	[smem:$0x3FBA] =	sst s10  }
0x35: {  	s10 =	sld [smem:$0x3FB9];
	_ =	sdelay $0x3  }
0x36: {  	p1 =	seq.s32 s10, $0x1;
	s10 =	sld [smem:$0x3FBA];
	_ =	sdelay $0x3  }
0x37: {  	[smem:$0x3FBA] =	sst s10  }
0x38: {  	s10 =	sld [smem:$0x3FBB]  }
0x39: {  	_ = 	snop;
	(pc) =	sbr.ind lr, $3  }
0x3a: {  	_ = 	snop  }
0x3b: {  	_ = 	snop  }
0x3c: {  	p2 =	seq.s32 s10, $0x1;
	s10 =	sld [smem:$0x3FBA]  }
0x3d: {  	_ =	shalt  }
0x3e: {  	_ =	shalt  }
0x3f: {  	_ =	shalt  }
0x40: {  	_ =	shalt  }
0x41: {  	_ =	shalt  }
0x42: {  	_ =	shalt  }
0x43: {  	_ =	shalt  }
0x44: {  	_ =	shalt  }
0x45: {  	_ =	shalt  }
0x46: {  	_ =	shalt  }
0x47: {  	_ =	shalt  }
0x48: {  	_ =	shalt  }
0x49: {  	_ =	shalt  }
0x4a: {  	_ =	shalt  }
0x4b: {  	_ =	shalt  }
0x4c: {  	_ =	shalt  }
0x4d: {  	_ =	shalt  }
0x4e: {  	_ =	shalt  }
0x4f: {  	_ =	shalt  }
0x50: {  	_ =	shalt  }
0x51: {  	_ =	shalt  }
0x52: {  	_ =	shalt  }
0x53: {  	_ =	shalt  }
0x54: {  	_ =	shalt  }
0x55: {  	_ =	shalt  }
0x56: {  	_ =	shalt  }
0x57: {  	_ =	shalt  }
0x58: {  	_ =	shalt  }
0x59: {  	_ =	shalt  }
0x5a: {  	_ =	shalt  }
0x5b: {  	_ =	shalt  }
0x5c: {  	_ =	shalt  }
0x5d: {  	_ =	shalt  }
0x5e: {  	_ =	shalt  }
0x5f: {  	_ =	shalt  }
0x60: {  	_ =	shalt  }
0x61: {  	_ =	shalt  }
0x62: {  	_ =	shalt  }
0x63: {  	_ =	shalt  }
0x64: {  	_ =	shalt  }
0x65: {  	_ =	shalt  }
0x66: {  	_ =	shalt  }
0x67: {  	_ =	shalt  }
0x68: {  	_ =	shalt  }
0x69: {  	_ =	shalt  }
0x6a: {  	_ =	shalt  }
0x6b: {  	_ =	shalt  }
0x6c: {  	_ =	shalt  }
0x6d: {  	_ =	shalt  }
0x6e: {  	_ =	shalt  }
0x6f: {  	_ =	shalt  }
0x70: {  	_ =	shalt  }
0x71: {  	_ =	shalt  }
0x72: {  	_ =	shalt  }
0x73: {  	_ =	shalt  }
0x74: {  	_ =	shalt  }
0x75: {  	_ =	shalt  }
0x76: {  	_ =	shalt  }
0x77: {  	_ =	shalt  }
0x78: {  	_ =	shalt  }
0x79: {  	_ =	shalt  }
0x7a: {  	_ =	shalt  }
0x7b: {  	_ =	shalt  }
0x7c: {  	_ =	shalt  }
0x7d: {  	_ =	shalt  }
0x7e: {  	_ =	shalt  }
0x7f: {  	_ =	shalt  }
0x80: {  	_ =	shalt  }
0x81: {  	_ =	shalt  }
0x82: {  	_ =	shalt  }
0x83: {  	_ =	shalt  }
0x84: {  	_ =	shalt  }
0x85: {  	_ =	shalt  }
0x86: {  	_ =	shalt  }
0x87: {  	_ =	shalt  }
.Lfunc_end0:
.L_simem_size_0:
called_computation_lowered:
.L_overlay_start_0:
0x88: {  	s2 =	sld [smem:$0x3FD9]  }
0x89: {  	s3 =	sld [smem:$0x3FFE];
	_ =	sdelay $0x1  }
0x8a: {  	s1 =	srdreg.scid  }
0x8b: {  	s0 =	sand.u32 $0x1, s1  }
0x8c: {  	s17 =	sshll.u32 s0, $0xA;
	s2 =	sadd.s32 s3, s2  }
0x8d: {  	s2 =	sadd.s32 s2, s17  }
0x8e: {  	[smem:$0x3FC6] =	sst s2  }
0x8f: {  	_ = 	snop  }
0x90: {  	s2 =	sld [smem:$0x3FD0];
	(tm) =	ssettm $0x1  }
0x91: {  	s18 =	sld [smem:$0x3FFB];
	_ =	sdelay $0x3  }
0x92: {  	_ =	strace s18  }
0x93: {  	s3 =	sld [smem:$0x3FFC];
	_ =	sdelay $0x3  }
0x94: {  	_ =	strace s3  }
0x95: {  	s3 =	sld [smem:$0x3FFD];
	_ =	sdelay $0x3  }
0x96: {  	_ =	strace s3  }
0x97: {  	_ =	strace $0x8FFFFFFF  }
0x98: {  	s19 =	sld [smem:$0x3FDB];
	_ =	sdelay $0x1  }
0x99: {  	s4 =	simm.s32 $_scs_section_size  }
0x9a: {  	s5 =	simm.s32 $_size__tile_overlayer_lowered;
	s6 =	simm.s32 $_tile_overlayer_lowered  }
0x9b: {  	s22 =	simm.s32 $0x1BFF;
	s21 =	sshll.u32 s6, $0x1;
	s3 =	sadd.s32 s4, s19  }
0x9c: {  	s7 =	simm.s32 $0x0;
	s20 =	sshll.u32 s5, $0x1;
	s5 =	sadd.s32 s21, s3  }
0x9d: {  	[timem:s7], [sflag:s22] =	dma.local [hbm:s5], s20  }
0x9e: {  	_ =	swait.ge [sflag:s22], s20  }
0x9f: {  	s4 =	ssub.s32 $0x0, s20;
	[sflag:s22] =	ssyncset.done $0x0  }
0xa0: {  	[sflag:s22] =	ssyncadd.s32 s4;
	_ =	sdelay $0x1  }
0xa1: {  	s23 =	simm.s32 $0x1B8B  }
0xa2: {  	_ =	swait.ge [sflag:s23], $0x1  }
0xa3: {  	[sflag:s23] =	ssyncset.done $0x0  }
0xa4: {  	s25 =	simm.s32 $0x1B8E;
	s24 =	sld [smem:$0x3FFE];
	[sflag:s23] =	ssyncadd.s32 $0xFFFFFFFF  }
0xa5: {  	s26 =	simm.s32 $execute0_lowered;
	[smem:$0x3FD2] =	sst s25  }
0xa6: {  	s5 =	sshll.u32 s26, $0x1;
	_ =	strace $0x80000046;
	[dreg:$0x1] =	wrdreg $0xFFFFFFFF  }
0xa7: {  	s28 =	simm.s32 $_size_execute0_lowered;
	s3 =	sadd.s32 s3, s5;
	[dreg:$0x0] =	wrdreg $0x0  }
0xa8: {  	s5 =	sshll.u32 s28, $0x1;
	[dreg:$0x2] =	wrdreg s3  }
0xa9: {  	[dreg:$0x3] =	wrdreg s5  }
0xaa: {  	[dreg:$0x4] =	wrdreg $0xC0  }
0xab: {  	_ =	task [dreg:s7], $0x5FFFF  }
0xac: {  	[dreg:$0x1] =	wrdreg $0xFFFFFFFF  }
0xad: {  	[dreg:$0x0] =	wrdreg $0x60  }
0xae: {  	[dreg:$0x2] =	wrdreg s24  }
0xaf: {  	[dreg:$0x3] =	wrdreg s2  }
0xb0: {  	[dreg:$0x4] =	wrdreg $0x9  }
0xb1: {  	_ =	task.clear_ibuf [dreg:s7], $0x5FFFF;
	_ =	strace $0x90000046  }
0xb2: {  	s29 =	simm.s32 $0x9;
	_ =	strace $0x80000048  }
0xb3: {  	_ =	swait.ge [sflag:s29], $0x1  }
0xb4: {  	[sflag:s29] =	ssyncadd.s32 $0xFFFFFFFF  }
0xb5: {  	_ =	strace $0x90000048  }
0xb6: {  	_ =	sfence  }
0xb7: {  	s30 =	sld [smem:$0x0];
	_ =	sdelay $0x2  }
0xb8: {  	s31 =	sshll.u32 s1, $0xD;
	s1 =	sshrl.u32 s1, $0x2  }
0xb9: {  	s3 =	sand.u32 $0x4000, s31;
	s1 =	sadd.s32 s1, s30  }
0xba: {  	s0 =	sor.u32 s3, s0;
	s1 =	sshll.u32 s1, $0x11  }
0xbb: {  	s0 =	sor.u32 s1, s0  }
0xbc: {  	s0 =	sadd.s32 $0x8F2B, s0  }
0xbd: {  	[sflag:s0] =	ssyncadd.remote.s32 $0x1  }
0xbe: {  	_ =	sfence.sel $0xFFFF  }
0xbf: {  	[dreg:$0x0] =	wrdreg $0xFFFFFFFF;
	(pc) =	sbr.abs _section_cstart, $3  }
0xc0: {  	[dreg:$0x1] =	wrdreg $0xFFFFFFFF  }
0xc1: {  	_ =	task.clear_ibuf [dreg:s7], $0x2FFFF;
	_ =	strace $0x9FFFFFFF  }
0xc2: {  	(tm) =	ssettm $0x7FFFFFFF  }
0xc3: {  	_ =	shalt  }
tec
execute0_lowered:
.L_overlay_start_1:
0x0: {  	(tag) =	ssettag $0x1  }
0x1: {  	s1 =	srdreg.scid;
	s2 =	rddreg [dreg:$0x0]  }
0x2: {  	s0 =	stileid.u32;
	s3 =	rddreg [dreg:$0x1];
	s10 =	simm.s32 $0x5  }
0x3: {  	s11 =	simm.s32 $0x2710;
	s12 =	simm.s32 $0x190;
	s13 =	simm.s32 $0x4E20  }
0x4: {  	s14 =	simm.s32 $0xB220;
	s15 =	simm.s32 $0x11620;
	s16 =	simm.s32 $0x17A20  }
0x5: {  	s17 =	simm.s32 $0x1;
	s1 =	sand.u32 $0x1, s1;
	s4 =	sshll.u32 s0, $0x1  }
0x6: {  	s18 =	simm.s32 $0x2;
	s19 =	simm.s32 $0x1DE20;
	s5 =	sor.u32 s1, s4  }
0x7: {  	s20 =	simm.s32 $0x1DFB0;
	s21 =	simm.s32 $0x3;
	s5 =	smul.u32 $0x2710, s5  }
0x8: {  	s22 =	simm.s32 $0x4;
	s23 =	simm.s32 $0x0;
	s4 =	simm.s32 $0x0  }
0x9: {  	s1 =	ssub.s32 $0x2, s1;
	[smem:$0x7FF] =	sst s4;
	s6 =	sshrl.u32 s5, $0x3  }
0xa: {  	s7 =	sshrl.u32 s1, $0x1;
	_ =	strace $0x80000047;
	s8 =	sadd.s32 s6, s2  }
0xb: {  	s1 =	ssub.s32 s1, s7;
	s9 =	sadd.s32 s3, s6;
	s6 =	sadd.s32 $0x1D800, s8  }
0xc: {  	vm0 =	vcmask $0x3F3C;
	s7 =	sadd.s32 $0x13A00, s8;
	s8 =	sadd.s32 $0x4B0, s9;
	s9 =	smax.u32 s1, $0x1  }
.LBB2_1:
0xd: {  	[tilespmem:s4], [sflag:$0x5] =	stream.linear.gather [hbm4b:s6+s4], $0x2710, $0x38;
	[tilespmem:$0x1E140] =	vst v63  }
0xe: {  	_ =	swait.ge [sflag:s10], $0x2710  }
0xf: {  	[sflag:s10] =	ssyncset.done $0x0  }
0x10: {  	[sflag:s10] =	ssyncadd.s32 $0xFFFFD8F0  }
0x11: {  	[tilespmem:s11], [sflag:$0x5] =	stream.linear.gather [hbm4b:s7+s4], $0x2710, $0x38;
	[tilespmem:$0x1E140] =	vst v63  }
0x12: {  	_ =	swait.ge [sflag:s10], $0x2710  }
0x13: {  	[sflag:s10] =	ssyncset.done $0x0  }
0x14: {  	[sflag:s10] =	ssyncadd.s32 $0xFFFFD8F0  }
0x15: {  	[tilespmem:s13], [sflag:$0x1] =	stream.indirect.gather [hbm4b:s2+s12], $0x40, s4, s12, $0xb8;
	[tilespmem:$0x1E140] =	vst v63  }
0x16: {  	s24 =	simm.s32 $0x0  }
0x17: {  	[tilespmem:s14], [sflag:$0x2] =	stream.indirect.gather [hbm4b:s2+s12], $0x40, s11, s12, $0xb8;
	[tilespmem:$0x1E140] =	vst v63  }
.LBB2_2:
0x18: {  	s26 =	smul.u32 $0x320, s24;
	_ =	sdelay $0x1  }
0x19: {  	s25 =	sadd.s32 $0x190, s26  }
0x1a: {  	[tilespmem:s15], [sflag:$0x3] =	stream.indirect.gather [hbm4b:s2+s12], $0x40, s25, s12, $0xb8;
	[tilespmem:$0x1E140] =	vst v63  }
0x1b: {  	s1 =	sadd.s32 $0x28A0, s26  }
0x1c: {  	[tilespmem:s16], [sflag:$0x4] =	stream.indirect.gather [hbm4b:s2+s12], $0x40, s1, s12, $0xb8;
	[tilespmem:$0x1E140] =	vst v63  }
0x1d: {  	_ =	swait.ge [sflag:s17], $0x6400  }
0x1e: {  	[sflag:s17] =	ssyncset.done $0x0  }
0x1f: {  	[sflag:s17] =	ssyncadd.s32 $0xFFFF9C00  }
0x20: {  	_ =	swait.ge [sflag:s18], $0x6400  }
0x21: {  	[sflag:s18] =	ssyncset.done $0x0  }
0x22: {  	s28 =	simm.s32 $0x4EA0;
	[sflag:s18] =	ssyncadd.s32 $0xFFFF9C00  }
0x23: {  	s29 =	simm.s32 $0xB2A0;
	v0 =	vld [tilespmem:s28+$0xFFFFFF80]  }
0x24: {  	v1 =	vld [tilespmem:s29+$0xFFFFFF90]  }
0x25: {  	v2 =	vld [tilespmem:s28+$0xFFFFFF90]  }
0x26: {  	v3 =	vld [tilespmem:s29+$0xFFFFFF80]  }
0x27: {  	v4 =	vld [tilespmem:s29+$0xFFFFFFA0]  }
0x28: {  	v5 =	vld [tilespmem:s28+$0xFFFFFFA0]  }
0x29: {  	v6 =	vld [tilespmem:s29+$0xFFFFFFB0]  }
0x2a: {  	v7 =	vld [tilespmem:s28+$0xFFFFFFB0]  }
0x2b: {  	v1 =	vmul.bf16 v1, v2;
	v0 =	vmul.bf16 v3, v0;
	_ =	sdelay $0x1  }
0x2c: {  	v0 =	vadd.bf16 v1, v0;
	v1 =	vmul.bf16 v4, v5;
	_ =	sdelay $0x1  }
0x2d: {  	v0 =	vadd.bf16 v1, v0;
	v1 =	vmul.bf16 v6, v7;
	_ =	sdelay $0x1  }
0x2e: {  	v0 =	vadd.bf16 v1, v0;
	_ =	sdelay $0x1  }
0x2f: {  	v1 =	vunpack.i.u.bf16.f32 v0;
	v0 =	vunpack.i.l.bf16.f32 v0  }
0x30: {  	v0 =	vadd.f32 v0, v1;
	_ =	sdelay $0x1  }
0x31: {  	(xrf2) =	vadd.scan.msk.f32 $0xffff, v0;
	_ =	sdelay $0x1  }
0x32: {  	s30 =	simm.s32 $0x0  }
0x33: {  	v0 =	vmov s30  }
0x34: {  	v0 =	vand.u32 $0xFFFFFFFC, v0  }
0x35: {  	v0 =	vbroadcast v0, $0x0;
	_ =	sdelay $0x4  }
0x36: {  	v1, _, _ =	vpop (xrf2)  }
0x37: {  	[tilespmem:v0+s19+$0x0] =	vst.idx.msk vm0, v1  }
0x38: {  	v0 =	vld [tilespmem:s29+$0xFFFFFFD0]  }
0x39: {  	v1 =	vld [tilespmem:s29+$0xFFFFFFC0]  }
0x3a: {  	v2 =	vld [tilespmem:s28+$0xFFFFFFD0]  }
0x3b: {  	v3 =	vld [tilespmem:s28+$0xFFFFFFC0]  }
0x3c: {  	v52 =	vld [tilespmem:s29+$0xFFFFFFE0]  }
0x3d: {  	v53 =	vld [tilespmem:s28+$0xFFFFFFE0]  }
0x3e: {  	v54 =	vld [tilespmem:s29+$0xFFFFFFF0]  }
0x3f: {  	v55 =	vld [tilespmem:s28+$0xFFFFFFF0]  }
0x40: {  	v0 =	vmul.bf16 v0, v2;
	v1 =	vmul.bf16 v1, v3;
	_ =	sdelay $0x1  }
0x41: {  	v0 =	vadd.bf16 v0, v1;
	v1 =	vmul.bf16 v52, v53;
	_ =	sdelay $0x1  }
0x42: {  	v0 =	vadd.bf16 v1, v0;
	v1 =	vmul.bf16 v54, v55;
	_ =	sdelay $0x1  }
0x43: {  	v0 =	vadd.bf16 v1, v0;
	_ =	sdelay $0x1  }
0x44: {  	v1 =	vunpack.i.u.bf16.f32 v0;
	v0 =	vunpack.i.l.bf16.f32 v0  }
0x45: {  	v0 =	vadd.f32 v0, v1;
	_ =	sdelay $0x1  }
0x46: {  	(xrf2) =	vadd.scan.msk.f32 $0xffff, v0;
	_ =	sdelay $0x1  }
0x47: {  	s0 =	simm.s32 $0x1  }
0x48: {  	v0 =	vmov s0  }
0x49: {  	v0 =	vand.u32 $0xFFFFFFFD, v0  }
0x4a: {  	v0 =	vbroadcast v0, $0x0;
	_ =	sdelay $0x4  }
0x4b: {  	v1, _, _ =	vpop (xrf2)  }
0x4c: {  	[tilespmem:v0+s19+$0x0] =	vst.idx.msk vm0, v1  }
0x4d: {  	v0 =	vld [tilespmem:s28+$0x0]  }
0x4e: {  	v1 =	vld [tilespmem:s29+$0x0]  }
0x4f: {  	v2 =	vld [tilespmem:s29+$0x10]  }
0x50: {  	v3 =	vld [tilespmem:s28+$0x10]  }
0x51: {  	v56 =	vld [tilespmem:s29+$0x20]  }
0x52: {  	v57 =	vld [tilespmem:s28+$0x20]  }
0x53: {  	v58 =	vld [tilespmem:s29+$0x30]  }
0x54: {  	v59 =	vld [tilespmem:s28+$0x30]  }
0x55: {  	v0 =	vmul.bf16 v1, v0;
	v1 =	vmul.bf16 v2, v3;
	_ =	sdelay $0x1  }
0x56: {  	v0 =	vadd.bf16 v1, v0;
	v1 =	vmul.bf16 v56, v57;
	_ =	sdelay $0x1  }
0x57: {  	v0 =	vadd.bf16 v1, v0;
	v1 =	vmul.bf16 v58, v59;
	_ =	sdelay $0x1  }
0x58: {  	v0 =	vadd.bf16 v1, v0;
	_ =	sdelay $0x1  }
0x59: {  	v1 =	vunpack.i.u.bf16.f32 v0;
	v0 =	vunpack.i.l.bf16.f32 v0  }
0x5a: {  	v0 =	vadd.f32 v0, v1;
	_ =	sdelay $0x1  }
0x5b: {  	(xrf2) =	vadd.scan.msk.f32 $0xffff, v0;
	_ =	sdelay $0x1  }
0x5c: {  	s0 =	simm.s32 $0x2  }
0x5d: {  	v0 =	vmov s0  }
0x5e: {  	v0 =	vand.u32 $0xFFFFFFFE, v0  }
0x5f: {  	v0 =	vbroadcast v0, $0x0;
	_ =	sdelay $0x4  }
0x60: {  	v1, _, _ =	vpop (xrf2)  }
0x61: {  	[tilespmem:v0+s19+$0x0] =	vst.idx.msk vm0, v1  }
0x62: {  	v0 =	vld [tilespmem:s28+$0x40]  }
0x63: {  	v1 =	vld [tilespmem:s29+$0x50]  }
0x64: {  	v2 =	vld [tilespmem:s29+$0x40]  }
0x65: {  	v3 =	vld [tilespmem:s28+$0x50]  }
0x66: {  	v60 =	vld [tilespmem:s28+$0x60]  }
0x67: {  	v61 =	vld [tilespmem:s29+$0x60]  }
0x68: {  	v62 =	vld [tilespmem:s28+$0x70]  }
0x69: {  	v63 =	vld [tilespmem:s29+$0x70]  }
0x6a: {  	v0 =	vmul.bf16 v2, v0;
	v1 =	vmul.bf16 v1, v3;
	_ =	sdelay $0x1  }
0x6b: {  	v2 =	vmul.bf16 v61, v60;
	v0 =	vadd.bf16 v1, v0;
	_ =	sdelay $0x1  }
0x6c: {  	v1 =	vmul.bf16 v63, v62;
	v0 =	vadd.bf16 v2, v0;
	_ =	sdelay $0x1  }
0x6d: {  	v0 =	vadd.bf16 v1, v0;
	_ =	sdelay $0x1  }
0x6e: {  	v1 =	vunpack.i.u.bf16.f32 v0;
	v0 =	vunpack.i.l.bf16.f32 v0  }
0x6f: {  	s31 =	simm.s32 $0x4;
	v0 =	vadd.f32 v0, v1  }
.LBB2_3:
0x70: {  	_ = 	snop  }
0x71: {  	p0 =	slt.u32 s31, $0x18C;
	s29 =	sadd.s32 $0x100, s29;
	s28 =	sadd.s32 $0x100, s28;
	(xrf2) =	vadd.scan.msk.f32 $0xffff, v0  }
0x72: {  	s1 =	smov.u32 s31;
	s31 =	sadd.s32 $0x4, s31;
	_ =	sdelay $0x2  }
0x73: {  	s0 =	sadd.s32 $0x3, s30;
	s30 =	smov.u32 s1  }
0x74: {  	v0 =	vmov s0;
	_ =	sdelay $0x4  }
0x75: {  	v1, _, _ =	vpop (xrf2)  }
0x76: {  	[tilespmem:v0+s19+$0x0] =	vst.idx.msk vm0, v1  }
0x77: {  	v0 =	vld [tilespmem:s28+$0xFFFFFF80]  }
0x78: {  	v1 =	vld [tilespmem:s29+$0xFFFFFF90]  }
0x79: {  	v2 =	vld [tilespmem:s28+$0xFFFFFF90]  }
0x7a: {  	v3 =	vld [tilespmem:s29+$0xFFFFFF80]  }
0x7b: {  	v4 =	vld [tilespmem:s29+$0xFFFFFFA0]  }
0x7c: {  	v5 =	vld [tilespmem:s28+$0xFFFFFFA0]  }
0x7d: {  	v6 =	vld [tilespmem:s29+$0xFFFFFFB0]  }
0x7e: {  	v1 =	vmul.bf16 v1, v2;
	v2 =	vld [tilespmem:s28+$0xFFFFFFB0]  }
0x7f: {  	v0 =	vmul.bf16 v3, v0;
	_ =	sdelay $0x1  }
0x80: {  	v0 =	vadd.bf16 v1, v0;
	v1 =	vmul.bf16 v4, v5;
	_ =	sdelay $0x1  }
0x81: {  	v0 =	vadd.bf16 v1, v0;
	v1 =	vmul.bf16 v6, v2;
	_ =	sdelay $0x1  }
0x82: {  	v0 =	vadd.bf16 v1, v0;
	_ =	sdelay $0x1  }
0x83: {  	v1 =	vunpack.i.u.bf16.f32 v0;
	v0 =	vunpack.i.l.bf16.f32 v0  }
0x84: {  	v0 =	vadd.f32 v0, v1;
	_ =	sdelay $0x1  }
0x85: {  	(xrf2) =	vadd.scan.msk.f32 $0xffff, v0;
	_ =	sdelay $0x2  }
0x86: {  	v0 =	vmov s30  }
0x87: {  	v0 =	vand.u32 $0xFFFFFFFC, v0  }
0x88: {  	v0 =	vbroadcast v0, $0x0;
	_ =	sdelay $0x4  }
0x89: {  	v1, _, _ =	vpop (xrf2)  }
0x8a: {  	[tilespmem:v0+s19+$0x0] =	vst.idx.msk vm0, v1  }
0x8b: {  	v0 =	vld [tilespmem:s29+$0xFFFFFFD0]  }
0x8c: {  	v1 =	vld [tilespmem:s29+$0xFFFFFFC0]  }
0x8d: {  	v2 =	vld [tilespmem:s28+$0xFFFFFFD0]  }
0x8e: {  	v3 =	vld [tilespmem:s28+$0xFFFFFFC0]  }
0x8f: {  	v4 =	vld [tilespmem:s29+$0xFFFFFFE0]  }
0x90: {  	v5 =	vld [tilespmem:s28+$0xFFFFFFE0]  }
0x91: {  	v6 =	vld [tilespmem:s29+$0xFFFFFFF0]  }
0x92: {  	v0 =	vmul.bf16 v0, v2;
	v2 =	vld [tilespmem:s28+$0xFFFFFFF0]  }
0x93: {  	v1 =	vmul.bf16 v1, v3;
	_ =	sdelay $0x1  }
0x94: {  	v0 =	vadd.bf16 v0, v1;
	v1 =	vmul.bf16 v4, v5;
	_ =	sdelay $0x1  }
0x95: {  	v0 =	vadd.bf16 v1, v0;
	v1 =	vmul.bf16 v6, v2;
	_ =	sdelay $0x1  }
0x96: {  	v0 =	vadd.bf16 v1, v0;
	_ =	sdelay $0x1  }
0x97: {  	v1 =	vunpack.i.u.bf16.f32 v0;
	v0 =	vunpack.i.l.bf16.f32 v0  }
0x98: {  	v0 =	vadd.f32 v0, v1;
	_ =	sdelay $0x1  }
0x99: {  	(xrf2) =	vadd.scan.msk.f32 $0xffff, v0;
	_ =	sdelay $0x1  }
0x9a: {  	s0 =	sadd.s32 $0x1, s30  }
0x9b: {  	v0 =	vmov s0  }
0x9c: {  	v0 =	vand.u32 $0xFFFFFFFD, v0  }
0x9d: {  	v0 =	vbroadcast v0, $0x0;
	_ =	sdelay $0x4  }
0x9e: {  	v1, _, _ =	vpop (xrf2)  }
0x9f: {  	[tilespmem:v0+s19+$0x0] =	vst.idx.msk vm0, v1  }
0xa0: {  	v0 =	vld [tilespmem:s28+$0x0]  }
0xa1: {  	v1 =	vld [tilespmem:s29+$0x0]  }
0xa2: {  	v2 =	vld [tilespmem:s29+$0x10]  }
0xa3: {  	v3 =	vld [tilespmem:s28+$0x10]  }
0xa4: {  	v4 =	vld [tilespmem:s29+$0x20]  }
0xa5: {  	v5 =	vld [tilespmem:s28+$0x20]  }
0xa6: {  	v0 =	vmul.bf16 v1, v0;
	v1 =	vld [tilespmem:s29+$0x30]  }
0xa7: {  	v6 =	vld [tilespmem:s28+$0x30]  }
0xa8: {  	v2 =	vmul.bf16 v2, v3;
	_ =	sdelay $0x1  }
0xa9: {  	v0 =	vadd.bf16 v2, v0;
	v2 =	vmul.bf16 v4, v5;
	_ =	sdelay $0x1  }
0xaa: {  	v0 =	vadd.bf16 v2, v0;
	v1 =	vmul.bf16 v1, v6;
	_ =	sdelay $0x1  }
0xab: {  	v0 =	vadd.bf16 v1, v0;
	_ =	sdelay $0x1  }
0xac: {  	v1 =	vunpack.i.u.bf16.f32 v0;
	v0 =	vunpack.i.l.bf16.f32 v0  }
0xad: {  	v0 =	vadd.f32 v0, v1;
	_ =	sdelay $0x1  }
0xae: {  	(xrf2) =	vadd.scan.msk.f32 $0xffff, v0;
	_ =	sdelay $0x1  }
0xaf: {  	s0 =	sadd.s32 $0x2, s30  }
0xb0: {  	v0 =	vmov s0  }
0xb1: {  	v0 =	vand.u32 $0xFFFFFFFE, v0  }
0xb2: {  	v0 =	vbroadcast v0, $0x0;
	_ =	sdelay $0x4  }
0xb3: {  	v1, _, _ =	vpop (xrf2)  }
0xb4: {  	[tilespmem:v0+s19+$0x0] =	vst.idx.msk vm0, v1  }
0xb5: {  	v0 =	vld [tilespmem:s28+$0x60]  }
0xb6: {  	v1 =	vld [tilespmem:s28+$0x40]  }
0xb7: {  	v2 =	vld [tilespmem:s29+$0x60]  }
0xb8: {  	v3 =	vld [tilespmem:s29+$0x50]  }
0xb9: {  	v4 =	vld [tilespmem:s29+$0x40]  }
0xba: {  	v5 =	vld [tilespmem:s28+$0x50]  }
0xbb: {  	v6 =	vld [tilespmem:s28+$0x70]  }
0xbc: {  	v7 =	vld [tilespmem:s29+$0x70];
	_ =	sdelay $0x1  }
0xbd: {  	v0 =	vmul.bf16 v2, v0;
	v1 =	vmul.bf16 v4, v1  }
0xbe: {  	v2 =	vmul.bf16 v3, v5;
	_ =	sdelay $0x1  }
0xbf: {  	v1 =	vadd.bf16 v2, v1  }
0xc0: {  	v2 =	vmul.bf16 v7, v6  }
0xc1: {  	v0 =	vadd.bf16 v0, v1  }
.Ltmp0:
0xc2: {  	(pc) =	sbr.rel @p0 .LBB2_3-.Ltmp0, $3  }
0xc3: {  	v0 =	vadd.bf16 v2, v0;
	_ =	sdelay $0x1  }
0xc4: {  	v1 =	vunpack.i.u.bf16.f32 v0;
	v0 =	vunpack.i.l.bf16.f32 v0  }
0xc5: {  	v0 =	vadd.f32 v0, v1  }
0xc6: {  	_ = 	snop  }
0xc7: {  	(xrf2) =	vadd.scan.msk.f32 $0xffff, v0;
	_ =	sdelay $0x4  }
0xc8: {  	s0 =	sadd.s32 $0x3, s30  }
0xc9: {  	v0 =	vmov s0;
	_ =	sdelay $0x3  }
0xca: {  	v1, _, _ =	vpop (xrf2)  }
0xcb: {  	s29 =	simm.s32 $0x0;
	[tilespmem:v0+s19+$0x0] =	vst.idx.msk vm0, v1  }
0xcc: {  	v0 =	vld [tilespmem:s29+$0x1DE20];
	_ =	sdelay $0x4  }
0xcd: {  	v0 =	vadd.f32 $3.205452110e-03, v0;
	_ =	sdelay $0x1  }
0xce: {  	v0 =	vsub.f32 $0.0e+00, v0  }
0xcf: {  	s28 =	simm.s32 $0x10  }
0xd0: {  	v1 =	vld [tilespmem:s28+$0x1DE20];
	v0 =	vmul.f32 $1.442695020e+00, v0;
	_ =	sdelay $0x1  }
0xd1: {  	(erf) = vpow2.f32 v0;
	_ =	sdelay $0x1  }
0xd2: {  	s30 =	simm.s32 $0x20  }
0xd3: {  	v1 =	vadd.f32 $3.205452110e-03, v1;
	v0 =	vld [tilespmem:s30+$0x1DE20];
	_ =	sdelay $0x1  }
0xd4: {  	v1 =	vsub.f32 $0.0e+00, v1;
	_ =	sdelay $0x1  }
0xd5: {  	v1 =	vmul.f32 $1.442695020e+00, v1  }
0xd6: {  	v0 =	vadd.f32 $3.205452110e-03, v0  }
0xd7: {  	s31 =	simm.s32 $0x30;
	v3 =	vpop (erf);
	(erf) = vpow2.f32 v1  }
0xd8: {  	v2 =	vsub.f32 $0.0e+00, v0;
	v0 =	vld [tilespmem:s31+$0x1DE20];
	_ =	sdelay $0x2  }
0xd9: {  	s1 =	simm.s32 $0x100;
	v2 =	vmul.f32 $1.442695020e+00, v2;
	v1 =	vsub.f32 $1.000000000e+00, v3  }
.LBB2_5:
0xda: {  	p0 =	sne.s32 s1, $0x600  }
.Ltmp1:
0xdb: {  	s0 =	sshra.s32 s1, $0x2;
	s1 =	sadd.s32 $0x40, s1;
	v4 =	vadd.f32 $3.205452110e-03, v0;
	(erf) = vpow2.f32 v2;
	[tilespmem:s29+$0x1DFB0] =	vst v1;
	(pc) =	sbr.rel @p0 .LBB2_5-.Ltmp1, $4  }
0xdc: {  	s29 =	smov.u32 s28;
	s28 =	smov.u32 s30;
	v0 =	vld [tilespmem:s0+$0x1DE20]  }
0xdd: {  	s30 =	smov.u32 s31;
	s31 =	smov.u32 s0;
	v1 =	vsub.f32 $0.0e+00, v4  }
0xde: {  	v3 =	vpop (erf)  }
0xdf: {  	v2 =	vmul.f32 $1.442695020e+00, v1;
	v1 =	vsub.f32 $1.000000000e+00, v3  }
0xe0: {  	_ = 	snop  }
0xe1: {  	v0 =	vadd.f32 $3.205452110e-03, v0;
	_ =	sdelay $0x1  }
0xe2: {  	v0 =	vsub.f32 $0.0e+00, v0;
	_ =	sdelay $0x1  }
0xe3: {  	v0 =	vmul.f32 $1.442695020e+00, v0  }
0xe4: {  	(erf) = vpow2.f32 v2  }
0xe5: {  	(erf) = vpow2.f32 v0;
	_ =	sdelay $0x6  }
0xe6: {  	v0 =	vpop (erf)  }
0xe7: {  	v0 =	vsub.f32 $1.000000000e+00, v0;
	v2 =	vpop (erf)  }
0xe8: {  	[tilespmem:s29+$0x1DFB0] =	vst v1;
	v1 =	vsub.f32 $1.000000000e+00, v2;
	v2 =	vpop (erf)  }
0xe9: {  	s0 =	sadd.s32 s5, s26;
	[tilespmem:s28+$0x1DFB0] =	vst v0;
	v0 =	vsub.f32 $1.000000000e+00, v2  }
0xea: {  	s0 =	sshrl.u32 s0, $0x3;
	[tilespmem:s30+$0x1DFB0] =	vst v1  }
0xeb: {  	s0 =	sadd.s32 s3, s0;
	s28 =	simm.s32 $0x0;
	[tilespmem:s31+$0x1DFB0] =	vst v0  }
0xec: {  	[hbm4b:s0+s28] =	stream.linear.scatter [tilespmem:s20], [sflag:$0x5], $0x190, $0x38;
	[tilespmem:$0x1E140] =	vst v63  }
0xed: {  	_ =	swait.ge [sflag:s10], $0x190  }
0xee: {  	[sflag:s10] =	ssyncset.done $0x0  }
0xef: {  	s1 =	sadd.s32 $0x320, s26;
	[sflag:s10] =	ssyncadd.s32 $0xFFFFFE70  }
0xf0: {  	[tilespmem:s13], [sflag:$0x1] =	stream.indirect.gather [hbm4b:s2+s12], $0x40, s1, s12, $0xb8;
	[tilespmem:$0x1E140] =	vst v63  }
0xf1: {  	s31 =	sadd.s32 $0x2A30, s26  }
0xf2: {  	[tilespmem:s14], [sflag:$0x2] =	stream.indirect.gather [hbm4b:s2+s12], $0x40, s31, s12, $0xb8;
	[tilespmem:$0x1E140] =	vst v63  }
0xf3: {  	_ =	swait.ge [sflag:s21], $0x6400  }
0xf4: {  	[sflag:s21] =	ssyncset.done $0x0  }
0xf5: {  	[sflag:s21] =	ssyncadd.s32 $0xFFFF9C00  }
0xf6: {  	_ =	swait.ge [sflag:s22], $0x6400  }
0xf7: {  	[sflag:s22] =	ssyncset.done $0x0  }
0xf8: {  	s26 =	simm.s32 $0x116A0;
	[sflag:s22] =	ssyncadd.s32 $0xFFFF9C00  }
0xf9: {  	s29 =	simm.s32 $0x17AA0;
	v0 =	vld [tilespmem:s26+$0xFFFFFF80]  }
0xfa: {  	v1 =	vld [tilespmem:s29+$0xFFFFFF90]  }
0xfb: {  	v2 =	vld [tilespmem:s26+$0xFFFFFF90]  }
0xfc: {  	v3 =	vld [tilespmem:s29+$0xFFFFFF80]  }
0xfd: {  	v4 =	vld [tilespmem:s29+$0xFFFFFFA0]  }
0xfe: {  	v5 =	vld [tilespmem:s26+$0xFFFFFFA0]  }
0xff: {  	v6 =	vld [tilespmem:s29+$0xFFFFFFB0]  }
0x100: {  	v7 =	vld [tilespmem:s26+$0xFFFFFFB0]  }
0x101: {  	v1 =	vmul.bf16 v1, v2;
	v0 =	vmul.bf16 v3, v0;
	_ =	sdelay $0x1  }
0x102: {  	v0 =	vadd.bf16 v1, v0;
	v1 =	vmul.bf16 v4, v5;
	_ =	sdelay $0x1  }
0x103: {  	v0 =	vadd.bf16 v1, v0;
	v1 =	vmul.bf16 v6, v7;
	_ =	sdelay $0x1  }
0x104: {  	v0 =	vadd.bf16 v1, v0;
	_ =	sdelay $0x1  }
0x105: {  	v1 =	vunpack.i.u.bf16.f32 v0;
	v0 =	vunpack.i.l.bf16.f32 v0  }
0x106: {  	v0 =	vadd.f32 v0, v1;
	_ =	sdelay $0x1  }
0x107: {  	(xrf2) =	vadd.scan.msk.f32 $0xffff, v0;
	_ =	sdelay $0x2  }
0x108: {  	v0 =	vmov s28  }
0x109: {  	v0 =	vand.u32 $0xFFFFFFFC, v0  }
0x10a: {  	v0 =	vbroadcast v0, $0x0;
	_ =	sdelay $0x4  }
0x10b: {  	v1, _, _ =	vpop (xrf2)  }
0x10c: {  	[tilespmem:v0+s19+$0x0] =	vst.idx.msk vm0, v1  }
0x10d: {  	v0 =	vld [tilespmem:s29+$0xFFFFFFD0]  }
0x10e: {  	v1 =	vld [tilespmem:s29+$0xFFFFFFC0]  }
0x10f: {  	v2 =	vld [tilespmem:s26+$0xFFFFFFD0]  }
0x110: {  	v3 =	vld [tilespmem:s26+$0xFFFFFFC0]  }
0x111: {  	v52 =	vld [tilespmem:s29+$0xFFFFFFE0]  }
0x112: {  	v53 =	vld [tilespmem:s26+$0xFFFFFFE0]  }
0x113: {  	v54 =	vld [tilespmem:s29+$0xFFFFFFF0]  }
0x114: {  	v55 =	vld [tilespmem:s26+$0xFFFFFFF0]  }
0x115: {  	v0 =	vmul.bf16 v0, v2;
	v1 =	vmul.bf16 v1, v3;
	_ =	sdelay $0x1  }
0x116: {  	v0 =	vadd.bf16 v0, v1;
	v1 =	vmul.bf16 v52, v53;
	_ =	sdelay $0x1  }
0x117: {  	v0 =	vadd.bf16 v1, v0;
	v1 =	vmul.bf16 v54, v55;
	_ =	sdelay $0x1  }
0x118: {  	v0 =	vadd.bf16 v1, v0;
	_ =	sdelay $0x1  }
0x119: {  	v1 =	vunpack.i.u.bf16.f32 v0;
	v0 =	vunpack.i.l.bf16.f32 v0  }
0x11a: {  	v0 =	vadd.f32 v0, v1;
	_ =	sdelay $0x1  }
0x11b: {  	(xrf2) =	vadd.scan.msk.f32 $0xffff, v0;
	_ =	sdelay $0x1  }
0x11c: {  	s1 =	simm.s32 $0x1  }
0x11d: {  	v0 =	vmov s1  }
0x11e: {  	v0 =	vand.u32 $0xFFFFFFFD, v0  }
0x11f: {  	v0 =	vbroadcast v0, $0x0;
	_ =	sdelay $0x4  }
0x120: {  	v1, _, _ =	vpop (xrf2)  }
0x121: {  	[tilespmem:v0+s19+$0x0] =	vst.idx.msk vm0, v1  }
0x122: {  	v0 =	vld [tilespmem:s26+$0x0]  }
0x123: {  	v1 =	vld [tilespmem:s29+$0x0]  }
0x124: {  	v2 =	vld [tilespmem:s29+$0x10]  }
0x125: {  	v3 =	vld [tilespmem:s26+$0x10]  }
0x126: {  	v56 =	vld [tilespmem:s29+$0x20]  }
0x127: {  	v57 =	vld [tilespmem:s26+$0x20]  }
0x128: {  	v58 =	vld [tilespmem:s29+$0x30]  }
0x129: {  	v59 =	vld [tilespmem:s26+$0x30]  }
0x12a: {  	v0 =	vmul.bf16 v1, v0;
	v1 =	vmul.bf16 v2, v3;
	_ =	sdelay $0x1  }
0x12b: {  	v0 =	vadd.bf16 v1, v0;
	v1 =	vmul.bf16 v56, v57;
	_ =	sdelay $0x1  }
0x12c: {  	v0 =	vadd.bf16 v1, v0;
	v1 =	vmul.bf16 v58, v59;
	_ =	sdelay $0x1  }
0x12d: {  	v0 =	vadd.bf16 v1, v0;
	_ =	sdelay $0x1  }
0x12e: {  	v1 =	vunpack.i.u.bf16.f32 v0;
	v0 =	vunpack.i.l.bf16.f32 v0  }
0x12f: {  	v0 =	vadd.f32 v0, v1;
	_ =	sdelay $0x1  }
0x130: {  	(xrf2) =	vadd.scan.msk.f32 $0xffff, v0;
	_ =	sdelay $0x1  }
0x131: {  	s31 =	simm.s32 $0x2  }
0x132: {  	v0 =	vmov s31  }
0x133: {  	v0 =	vand.u32 $0xFFFFFFFE, v0  }
0x134: {  	v0 =	vbroadcast v0, $0x0;
	_ =	sdelay $0x4  }
0x135: {  	v1, _, _ =	vpop (xrf2)  }
0x136: {  	[tilespmem:v0+s19+$0x0] =	vst.idx.msk vm0, v1  }
0x137: {  	v0 =	vld [tilespmem:s26+$0x40]  }
0x138: {  	v1 =	vld [tilespmem:s29+$0x50]  }
0x139: {  	v2 =	vld [tilespmem:s29+$0x40]  }
0x13a: {  	v3 =	vld [tilespmem:s26+$0x50]  }
0x13b: {  	v60 =	vld [tilespmem:s26+$0x60]  }
0x13c: {  	v61 =	vld [tilespmem:s29+$0x60]  }
0x13d: {  	v62 =	vld [tilespmem:s26+$0x70]  }
0x13e: {  	v63 =	vld [tilespmem:s29+$0x70]  }
0x13f: {  	v0 =	vmul.bf16 v2, v0;
	v1 =	vmul.bf16 v1, v3;
	_ =	sdelay $0x1  }
0x140: {  	v2 =	vmul.bf16 v61, v60;
	v0 =	vadd.bf16 v1, v0;
	_ =	sdelay $0x1  }
0x141: {  	v1 =	vmul.bf16 v63, v62;
	v0 =	vadd.bf16 v2, v0;
	_ =	sdelay $0x1  }
0x142: {  	v0 =	vadd.bf16 v1, v0;
	_ =	sdelay $0x1  }
0x143: {  	v1 =	vunpack.i.u.bf16.f32 v0;
	v0 =	vunpack.i.l.bf16.f32 v0  }
0x144: {  	s30 =	simm.s32 $0x4;
	v0 =	vadd.f32 v0, v1  }
.LBB2_7:
0x145: {  	_ = 	snop  }
0x146: {  	p0 =	slt.u32 s30, $0x18C;
	s29 =	sadd.s32 $0x100, s29;
	s26 =	sadd.s32 $0x100, s26;
	(xrf2) =	vadd.scan.msk.f32 $0xffff, v0  }
0x147: {  	s0 =	smov.u32 s30;
	s30 =	sadd.s32 $0x4, s30;
	_ =	sdelay $0x2  }
0x148: {  	s1 =	sadd.s32 $0x3, s28;
	s28 =	smov.u32 s0  }
0x149: {  	v0 =	vmov s1;
	_ =	sdelay $0x4  }
0x14a: {  	v1, _, _ =	vpop (xrf2)  }
0x14b: {  	[tilespmem:v0+s19+$0x0] =	vst.idx.msk vm0, v1  }
0x14c: {  	v0 =	vld [tilespmem:s26+$0xFFFFFF80]  }
0x14d: {  	v1 =	vld [tilespmem:s29+$0xFFFFFF90]  }
0x14e: {  	v2 =	vld [tilespmem:s26+$0xFFFFFF90]  }
0x14f: {  	v3 =	vld [tilespmem:s29+$0xFFFFFF80]  }
0x150: {  	v4 =	vld [tilespmem:s29+$0xFFFFFFA0]  }
0x151: {  	v5 =	vld [tilespmem:s26+$0xFFFFFFA0]  }
0x152: {  	v6 =	vld [tilespmem:s29+$0xFFFFFFB0]  }
0x153: {  	v1 =	vmul.bf16 v1, v2;
	v2 =	vld [tilespmem:s26+$0xFFFFFFB0]  }
0x154: {  	v0 =	vmul.bf16 v3, v0;
	_ =	sdelay $0x1  }
0x155: {  	v0 =	vadd.bf16 v1, v0;
	v1 =	vmul.bf16 v4, v5;
	_ =	sdelay $0x1  }
0x156: {  	v0 =	vadd.bf16 v1, v0;
	v1 =	vmul.bf16 v6, v2;
	_ =	sdelay $0x1  }
0x157: {  	v0 =	vadd.bf16 v1, v0;
	_ =	sdelay $0x1  }
0x158: {  	v1 =	vunpack.i.u.bf16.f32 v0;
	v0 =	vunpack.i.l.bf16.f32 v0  }
0x159: {  	v0 =	vadd.f32 v0, v1;
	_ =	sdelay $0x1  }
0x15a: {  	(xrf2) =	vadd.scan.msk.f32 $0xffff, v0;
	_ =	sdelay $0x2  }
0x15b: {  	v0 =	vmov s28  }
0x15c: {  	v0 =	vand.u32 $0xFFFFFFFC, v0  }
0x15d: {  	v0 =	vbroadcast v0, $0x0;
	_ =	sdelay $0x4  }
0x15e: {  	v1, _, _ =	vpop (xrf2)  }
0x15f: {  	[tilespmem:v0+s19+$0x0] =	vst.idx.msk vm0, v1  }
0x160: {  	v0 =	vld [tilespmem:s29+$0xFFFFFFD0]  }
0x161: {  	v1 =	vld [tilespmem:s29+$0xFFFFFFC0]  }
0x162: {  	v2 =	vld [tilespmem:s26+$0xFFFFFFD0]  }
0x163: {  	v3 =	vld [tilespmem:s26+$0xFFFFFFC0]  }
0x164: {  	v4 =	vld [tilespmem:s29+$0xFFFFFFE0]  }
0x165: {  	v5 =	vld [tilespmem:s26+$0xFFFFFFE0]  }
0x166: {  	v6 =	vld [tilespmem:s29+$0xFFFFFFF0]  }
0x167: {  	v0 =	vmul.bf16 v0, v2;
	v2 =	vld [tilespmem:s26+$0xFFFFFFF0]  }
0x168: {  	v1 =	vmul.bf16 v1, v3;
	_ =	sdelay $0x1  }
0x169: {  	v0 =	vadd.bf16 v0, v1;
	v1 =	vmul.bf16 v4, v5;
	_ =	sdelay $0x1  }
0x16a: {  	v0 =	vadd.bf16 v1, v0;
	v1 =	vmul.bf16 v6, v2;
	_ =	sdelay $0x1  }
0x16b: {  	v0 =	vadd.bf16 v1, v0;
	_ =	sdelay $0x1  }
0x16c: {  	v1 =	vunpack.i.u.bf16.f32 v0;
	v0 =	vunpack.i.l.bf16.f32 v0  }
0x16d: {  	v0 =	vadd.f32 v0, v1;
	_ =	sdelay $0x1  }
0x16e: {  	(xrf2) =	vadd.scan.msk.f32 $0xffff, v0;
	_ =	sdelay $0x1  }
0x16f: {  	s0 =	sadd.s32 $0x1, s28  }
0x170: {  	v0 =	vmov s0  }
0x171: {  	v0 =	vand.u32 $0xFFFFFFFD, v0  }
0x172: {  	v0 =	vbroadcast v0, $0x0;
	_ =	sdelay $0x4  }
0x173: {  	v1, _, _ =	vpop (xrf2)  }
0x174: {  	[tilespmem:v0+s19+$0x0] =	vst.idx.msk vm0, v1  }
0x175: {  	v0 =	vld [tilespmem:s26+$0x0]  }
0x176: {  	v1 =	vld [tilespmem:s29+$0x0]  }
0x177: {  	v2 =	vld [tilespmem:s29+$0x10]  }
0x178: {  	v3 =	vld [tilespmem:s26+$0x10]  }
0x179: {  	v4 =	vld [tilespmem:s29+$0x20]  }
0x17a: {  	v5 =	vld [tilespmem:s26+$0x20]  }
0x17b: {  	v0 =	vmul.bf16 v1, v0;
	v1 =	vld [tilespmem:s29+$0x30]  }
0x17c: {  	v6 =	vld [tilespmem:s26+$0x30]  }
0x17d: {  	v2 =	vmul.bf16 v2, v3;
	_ =	sdelay $0x1  }
0x17e: {  	v0 =	vadd.bf16 v2, v0;
	v2 =	vmul.bf16 v4, v5;
	_ =	sdelay $0x1  }
0x17f: {  	v0 =	vadd.bf16 v2, v0;
	v1 =	vmul.bf16 v1, v6;
	_ =	sdelay $0x1  }
0x180: {  	v0 =	vadd.bf16 v1, v0;
	_ =	sdelay $0x1  }
0x181: {  	v1 =	vunpack.i.u.bf16.f32 v0;
	v0 =	vunpack.i.l.bf16.f32 v0  }
0x182: {  	v0 =	vadd.f32 v0, v1;
	_ =	sdelay $0x1  }
0x183: {  	(xrf2) =	vadd.scan.msk.f32 $0xffff, v0;
	_ =	sdelay $0x1  }
0x184: {  	s0 =	sadd.s32 $0x2, s28  }
0x185: {  	v0 =	vmov s0  }
0x186: {  	v0 =	vand.u32 $0xFFFFFFFE, v0  }
0x187: {  	v0 =	vbroadcast v0, $0x0;
	_ =	sdelay $0x4  }
0x188: {  	v1, _, _ =	vpop (xrf2)  }
0x189: {  	[tilespmem:v0+s19+$0x0] =	vst.idx.msk vm0, v1  }
0x18a: {  	v0 =	vld [tilespmem:s26+$0x60]  }
0x18b: {  	v1 =	vld [tilespmem:s26+$0x40]  }
0x18c: {  	v2 =	vld [tilespmem:s29+$0x60]  }
0x18d: {  	v3 =	vld [tilespmem:s29+$0x50]  }
0x18e: {  	v4 =	vld [tilespmem:s29+$0x40]  }
0x18f: {  	v5 =	vld [tilespmem:s26+$0x50]  }
0x190: {  	v6 =	vld [tilespmem:s26+$0x70]  }
0x191: {  	v7 =	vld [tilespmem:s29+$0x70];
	_ =	sdelay $0x1  }
0x192: {  	v0 =	vmul.bf16 v2, v0;
	v1 =	vmul.bf16 v4, v1  }
0x193: {  	v2 =	vmul.bf16 v3, v5;
	_ =	sdelay $0x1  }
0x194: {  	v1 =	vadd.bf16 v2, v1  }
0x195: {  	v2 =	vmul.bf16 v7, v6  }
0x196: {  	v0 =	vadd.bf16 v0, v1  }
.Ltmp2:
0x197: {  	(pc) =	sbr.rel @p0 .LBB2_7-.Ltmp2, $3  }
0x198: {  	v0 =	vadd.bf16 v2, v0;
	_ =	sdelay $0x1  }
0x199: {  	v1 =	vunpack.i.u.bf16.f32 v0;
	v0 =	vunpack.i.l.bf16.f32 v0  }
0x19a: {  	v0 =	vadd.f32 v0, v1  }
0x19b: {  	_ = 	snop  }
0x19c: {  	(xrf2) =	vadd.scan.msk.f32 $0xffff, v0;
	_ =	sdelay $0x4  }
0x19d: {  	s0 =	sadd.s32 $0x3, s28  }
0x19e: {  	v0 =	vmov s0;
	_ =	sdelay $0x3  }
0x19f: {  	v1, _, _ =	vpop (xrf2)  }
0x1a0: {  	s28 =	simm.s32 $0x0;
	[tilespmem:v0+s19+$0x0] =	vst.idx.msk vm0, v1  }
0x1a1: {  	v0 =	vld [tilespmem:s28+$0x1DE20];
	_ =	sdelay $0x4  }
0x1a2: {  	v0 =	vadd.f32 $3.205452110e-03, v0;
	_ =	sdelay $0x1  }
0x1a3: {  	v0 =	vsub.f32 $0.0e+00, v0  }
0x1a4: {  	s26 =	simm.s32 $0x10  }
0x1a5: {  	v1 =	vld [tilespmem:s26+$0x1DE20];
	v0 =	vmul.f32 $1.442695020e+00, v0;
	_ =	sdelay $0x1  }
0x1a6: {  	(erf) = vpow2.f32 v0;
	_ =	sdelay $0x1  }
0x1a7: {  	s29 =	simm.s32 $0x20  }
0x1a8: {  	v1 =	vadd.f32 $3.205452110e-03, v1;
	v0 =	vld [tilespmem:s29+$0x1DE20];
	_ =	sdelay $0x1  }
0x1a9: {  	v1 =	vsub.f32 $0.0e+00, v1;
	_ =	sdelay $0x1  }
0x1aa: {  	v1 =	vmul.f32 $1.442695020e+00, v1  }
0x1ab: {  	v0 =	vadd.f32 $3.205452110e-03, v0  }
0x1ac: {  	s30 =	simm.s32 $0x30;
	v3 =	vpop (erf);
	(erf) = vpow2.f32 v1  }
0x1ad: {  	v2 =	vsub.f32 $0.0e+00, v0;
	v0 =	vld [tilespmem:s30+$0x1DE20];
	_ =	sdelay $0x2  }
0x1ae: {  	s1 =	simm.s32 $0x100;
	v2 =	vmul.f32 $1.442695020e+00, v2;
	v1 =	vsub.f32 $1.000000000e+00, v3  }
.LBB2_9:
0x1af: {  	p0 =	sne.s32 s1, $0x600  }
.Ltmp3:
0x1b0: {  	s0 =	sshra.s32 s1, $0x2;
	s1 =	sadd.s32 $0x40, s1;
	v4 =	vadd.f32 $3.205452110e-03, v0;
	(erf) = vpow2.f32 v2;
	[tilespmem:s28+$0x1DFB0] =	vst v1;
	(pc) =	sbr.rel @p0 .LBB2_9-.Ltmp3, $4  }
0x1b1: {  	s28 =	smov.u32 s26;
	s26 =	smov.u32 s29;
	v0 =	vld [tilespmem:s0+$0x1DE20]  }
0x1b2: {  	s29 =	smov.u32 s30;
	s30 =	smov.u32 s0;
	v1 =	vsub.f32 $0.0e+00, v4  }
0x1b3: {  	v3 =	vpop (erf)  }
0x1b4: {  	v2 =	vmul.f32 $1.442695020e+00, v1;
	v1 =	vsub.f32 $1.000000000e+00, v3  }
0x1b5: {  	_ = 	snop  }
0x1b6: {  	v0 =	vadd.f32 $3.205452110e-03, v0;
	_ =	sdelay $0x1  }
0x1b7: {  	v0 =	vsub.f32 $0.0e+00, v0;
	_ =	sdelay $0x1  }
0x1b8: {  	v0 =	vmul.f32 $1.442695020e+00, v0  }
0x1b9: {  	(erf) = vpow2.f32 v2  }
0x1ba: {  	(erf) = vpow2.f32 v0;
	_ =	sdelay $0x6  }
0x1bb: {  	v60 =	vpop (erf)  }
0x1bc: {  	v0 =	vsub.f32 $1.000000000e+00, v60;
	v2 =	vpop (erf)  }
0x1bd: {  	[tilespmem:s28+$0x1DFB0] =	vst v1;
	v61 =	vsub.f32 $1.000000000e+00, v2;
	v62 =	vpop (erf)  }
0x1be: {  	s0 =	sadd.s32 s5, s25;
	s24 =	sadd.s32 $0x1, s24;
	[tilespmem:s26+$0x1DFB0] =	vst v0;
	v63 =	vsub.f32 $1.000000000e+00, v62  }
0x1bf: {  	s0 =	sshrl.u32 s0, $0x3;
	p0 =	sne.s32 s24, $0xC;
	[tilespmem:s29+$0x1DFB0] =	vst v61  }
.Ltmp4:
0x1c0: {  	s0 =	sadd.s32 s3, s0;
	[tilespmem:s30+$0x1DFB0] =	vst v63;
	(pc) =	sbr.rel @p0 .LBB2_2-.Ltmp4, $4  }
0x1c1: {  	[hbm4b:s0+s4] =	stream.linear.scatter [tilespmem:s20], [sflag:$0x5], $0x190, $0x38;
	[tilespmem:$0x1E140] =	vst v63  }
0x1c2: {  	_ =	swait.ge [sflag:s10], $0x190  }
0x1c3: {  	[sflag:s10] =	ssyncset.done $0x0  }
0x1c4: {  	[sflag:s10] =	ssyncadd.s32 $0xFFFFFE70  }
0x1c5: {  	_ =	swait.ge [sflag:s17], $0x6400  }
0x1c6: {  	[sflag:s17] =	ssyncset.done $0x0  }
0x1c7: {  	[sflag:s17] =	ssyncadd.s32 $0xFFFF9C00  }
0x1c8: {  	_ =	swait.ge [sflag:s18], $0x6400  }
0x1c9: {  	[sflag:s18] =	ssyncset.done $0x0  }
0x1ca: {  	s24 =	simm.s32 $0x4EA0;
	[sflag:s18] =	ssyncadd.s32 $0xFFFF9C00  }
0x1cb: {  	s25 =	simm.s32 $0xB2A0;
	v0 =	vld [tilespmem:s24+$0xFFFFFF80]  }
0x1cc: {  	v1 =	vld [tilespmem:s25+$0xFFFFFF90]  }
0x1cd: {  	v2 =	vld [tilespmem:s24+$0xFFFFFF90]  }
0x1ce: {  	v3 =	vld [tilespmem:s25+$0xFFFFFF80]  }
0x1cf: {  	v4 =	vld [tilespmem:s25+$0xFFFFFFA0]  }
0x1d0: {  	v5 =	vld [tilespmem:s24+$0xFFFFFFA0]  }
0x1d1: {  	v6 =	vld [tilespmem:s25+$0xFFFFFFB0]  }
0x1d2: {  	v7 =	vld [tilespmem:s24+$0xFFFFFFB0]  }
0x1d3: {  	v1 =	vmul.bf16 v1, v2;
	v0 =	vmul.bf16 v3, v0;
	_ =	sdelay $0x1  }
0x1d4: {  	v0 =	vadd.bf16 v1, v0;
	v1 =	vmul.bf16 v4, v5;
	_ =	sdelay $0x1  }
0x1d5: {  	v0 =	vadd.bf16 v1, v0;
	v1 =	vmul.bf16 v6, v7;
	_ =	sdelay $0x1  }
0x1d6: {  	v0 =	vadd.bf16 v1, v0;
	_ =	sdelay $0x1  }
0x1d7: {  	v1 =	vunpack.i.u.bf16.f32 v0;
	v0 =	vunpack.i.l.bf16.f32 v0  }
0x1d8: {  	v0 =	vadd.f32 v0, v1;
	_ =	sdelay $0x1  }
0x1d9: {  	(xrf2) =	vadd.scan.msk.f32 $0xffff, v0;
	_ =	sdelay $0x1  }
0x1da: {  	s26 =	simm.s32 $0x0  }
0x1db: {  	v0 =	vmov s26  }
0x1dc: {  	v0 =	vand.u32 $0xFFFFFFFC, v0  }
0x1dd: {  	v0 =	vbroadcast v0, $0x0;
	_ =	sdelay $0x4  }
0x1de: {  	v1, _, _ =	vpop (xrf2)  }
0x1df: {  	[tilespmem:v0+s19+$0x0] =	vst.idx.msk vm0, v1  }
0x1e0: {  	v0 =	vld [tilespmem:s25+$0xFFFFFFD0]  }
0x1e1: {  	v1 =	vld [tilespmem:s25+$0xFFFFFFC0]  }
0x1e2: {  	v2 =	vld [tilespmem:s24+$0xFFFFFFD0]  }
0x1e3: {  	v3 =	vld [tilespmem:s24+$0xFFFFFFC0]  }
0x1e4: {  	v52 =	vld [tilespmem:s25+$0xFFFFFFE0]  }
0x1e5: {  	v53 =	vld [tilespmem:s24+$0xFFFFFFE0]  }
0x1e6: {  	v54 =	vld [tilespmem:s25+$0xFFFFFFF0]  }
0x1e7: {  	v55 =	vld [tilespmem:s24+$0xFFFFFFF0]  }
0x1e8: {  	v0 =	vmul.bf16 v0, v2;
	v1 =	vmul.bf16 v1, v3;
	_ =	sdelay $0x1  }
0x1e9: {  	v0 =	vadd.bf16 v0, v1;
	v1 =	vmul.bf16 v52, v53;
	_ =	sdelay $0x1  }
0x1ea: {  	v0 =	vadd.bf16 v1, v0;
	v1 =	vmul.bf16 v54, v55;
	_ =	sdelay $0x1  }
0x1eb: {  	v0 =	vadd.bf16 v1, v0;
	_ =	sdelay $0x1  }
0x1ec: {  	v1 =	vunpack.i.u.bf16.f32 v0;
	v0 =	vunpack.i.l.bf16.f32 v0  }
0x1ed: {  	v0 =	vadd.f32 v0, v1;
	_ =	sdelay $0x1  }
0x1ee: {  	(xrf2) =	vadd.scan.msk.f32 $0xffff, v0;
	_ =	sdelay $0x1  }
0x1ef: {  	s0 =	simm.s32 $0x1  }
0x1f0: {  	v0 =	vmov s0  }
0x1f1: {  	v0 =	vand.u32 $0xFFFFFFFD, v0  }
0x1f2: {  	v0 =	vbroadcast v0, $0x0;
	_ =	sdelay $0x4  }
0x1f3: {  	v1, _, _ =	vpop (xrf2)  }
0x1f4: {  	[tilespmem:v0+s19+$0x0] =	vst.idx.msk vm0, v1  }
0x1f5: {  	v0 =	vld [tilespmem:s24+$0x0]  }
0x1f6: {  	v1 =	vld [tilespmem:s25+$0x0]  }
0x1f7: {  	v2 =	vld [tilespmem:s25+$0x10]  }
0x1f8: {  	v3 =	vld [tilespmem:s24+$0x10]  }
0x1f9: {  	v56 =	vld [tilespmem:s25+$0x20]  }
0x1fa: {  	v57 =	vld [tilespmem:s24+$0x20]  }
0x1fb: {  	v58 =	vld [tilespmem:s25+$0x30]  }
0x1fc: {  	v59 =	vld [tilespmem:s24+$0x30]  }
0x1fd: {  	v0 =	vmul.bf16 v1, v0;
	v1 =	vmul.bf16 v2, v3;
	_ =	sdelay $0x1  }
0x1fe: {  	v0 =	vadd.bf16 v1, v0;
	v1 =	vmul.bf16 v56, v57;
	_ =	sdelay $0x1  }
0x1ff: {  	v0 =	vadd.bf16 v1, v0;
	v1 =	vmul.bf16 v58, v59;
	_ =	sdelay $0x1  }
0x200: {  	v0 =	vadd.bf16 v1, v0;
	_ =	sdelay $0x1  }
0x201: {  	v1 =	vunpack.i.u.bf16.f32 v0;
	v0 =	vunpack.i.l.bf16.f32 v0  }
0x202: {  	v0 =	vadd.f32 v0, v1;
	_ =	sdelay $0x1  }
0x203: {  	(xrf2) =	vadd.scan.msk.f32 $0xffff, v0;
	_ =	sdelay $0x1  }
0x204: {  	s31 =	simm.s32 $0x2  }
0x205: {  	v0 =	vmov s31  }
0x206: {  	v0 =	vand.u32 $0xFFFFFFFE, v0  }
0x207: {  	v0 =	vbroadcast v0, $0x0;
	_ =	sdelay $0x4  }
0x208: {  	v1, _, _ =	vpop (xrf2)  }
0x209: {  	[tilespmem:v0+s19+$0x0] =	vst.idx.msk vm0, v1  }
0x20a: {  	v0 =	vld [tilespmem:s24+$0x40]  }
0x20b: {  	v1 =	vld [tilespmem:s25+$0x50]  }
0x20c: {  	v2 =	vld [tilespmem:s25+$0x40]  }
0x20d: {  	v3 =	vld [tilespmem:s24+$0x50]  }
0x20e: {  	v60 =	vld [tilespmem:s24+$0x60]  }
0x20f: {  	v61 =	vld [tilespmem:s25+$0x60]  }
0x210: {  	v62 =	vld [tilespmem:s24+$0x70]  }
0x211: {  	v63 =	vld [tilespmem:s25+$0x70]  }
0x212: {  	v0 =	vmul.bf16 v2, v0;
	v1 =	vmul.bf16 v1, v3;
	_ =	sdelay $0x1  }
0x213: {  	v2 =	vmul.bf16 v61, v60;
	v0 =	vadd.bf16 v1, v0;
	_ =	sdelay $0x1  }
0x214: {  	v1 =	vmul.bf16 v63, v62;
	v0 =	vadd.bf16 v2, v0;
	_ =	sdelay $0x1  }
0x215: {  	v0 =	vadd.bf16 v1, v0;
	_ =	sdelay $0x1  }
0x216: {  	v1 =	vunpack.i.u.bf16.f32 v0;
	v0 =	vunpack.i.l.bf16.f32 v0  }
0x217: {  	s28 =	simm.s32 $0x4;
	v0 =	vadd.f32 v0, v1  }
.LBB2_12:
0x218: {  	_ = 	snop  }
0x219: {  	p0 =	slt.u32 s28, $0x18C;
	s25 =	sadd.s32 $0x100, s25;
	s24 =	sadd.s32 $0x100, s24;
	(xrf2) =	vadd.scan.msk.f32 $0xffff, v0  }
0x21a: {  	s0 =	smov.u32 s28;
	s28 =	sadd.s32 $0x4, s28;
	_ =	sdelay $0x2  }
0x21b: {  	s1 =	sadd.s32 $0x3, s26;
	s26 =	smov.u32 s0  }
0x21c: {  	v0 =	vmov s1;
	_ =	sdelay $0x4  }
0x21d: {  	v1, _, _ =	vpop (xrf2)  }
0x21e: {  	[tilespmem:v0+s19+$0x0] =	vst.idx.msk vm0, v1  }
0x21f: {  	v0 =	vld [tilespmem:s24+$0xFFFFFF80]  }
0x220: {  	v1 =	vld [tilespmem:s25+$0xFFFFFF90]  }
0x221: {  	v2 =	vld [tilespmem:s24+$0xFFFFFF90]  }
0x222: {  	v3 =	vld [tilespmem:s25+$0xFFFFFF80]  }
0x223: {  	v4 =	vld [tilespmem:s25+$0xFFFFFFA0]  }
0x224: {  	v5 =	vld [tilespmem:s24+$0xFFFFFFA0]  }
0x225: {  	v6 =	vld [tilespmem:s25+$0xFFFFFFB0]  }
0x226: {  	v1 =	vmul.bf16 v1, v2;
	v2 =	vld [tilespmem:s24+$0xFFFFFFB0]  }
0x227: {  	v0 =	vmul.bf16 v3, v0;
	_ =	sdelay $0x1  }
0x228: {  	v0 =	vadd.bf16 v1, v0;
	v1 =	vmul.bf16 v4, v5;
	_ =	sdelay $0x1  }
0x229: {  	v0 =	vadd.bf16 v1, v0;
	v1 =	vmul.bf16 v6, v2;
	_ =	sdelay $0x1  }
0x22a: {  	v0 =	vadd.bf16 v1, v0;
	_ =	sdelay $0x1  }
0x22b: {  	v1 =	vunpack.i.u.bf16.f32 v0;
	v0 =	vunpack.i.l.bf16.f32 v0  }
0x22c: {  	v0 =	vadd.f32 v0, v1;
	_ =	sdelay $0x1  }
0x22d: {  	(xrf2) =	vadd.scan.msk.f32 $0xffff, v0;
	_ =	sdelay $0x2  }
0x22e: {  	v0 =	vmov s26  }
0x22f: {  	v0 =	vand.u32 $0xFFFFFFFC, v0  }
0x230: {  	v0 =	vbroadcast v0, $0x0;
	_ =	sdelay $0x4  }
0x231: {  	v1, _, _ =	vpop (xrf2)  }
0x232: {  	[tilespmem:v0+s19+$0x0] =	vst.idx.msk vm0, v1  }
0x233: {  	v0 =	vld [tilespmem:s25+$0xFFFFFFD0]  }
0x234: {  	v1 =	vld [tilespmem:s25+$0xFFFFFFC0]  }
0x235: {  	v2 =	vld [tilespmem:s24+$0xFFFFFFD0]  }
0x236: {  	v3 =	vld [tilespmem:s24+$0xFFFFFFC0]  }
0x237: {  	v4 =	vld [tilespmem:s25+$0xFFFFFFE0]  }
0x238: {  	v5 =	vld [tilespmem:s24+$0xFFFFFFE0]  }
0x239: {  	v6 =	vld [tilespmem:s25+$0xFFFFFFF0]  }
0x23a: {  	v0 =	vmul.bf16 v0, v2;
	v2 =	vld [tilespmem:s24+$0xFFFFFFF0]  }
0x23b: {  	v1 =	vmul.bf16 v1, v3;
	_ =	sdelay $0x1  }
0x23c: {  	v0 =	vadd.bf16 v0, v1;
	v1 =	vmul.bf16 v4, v5;
	_ =	sdelay $0x1  }
0x23d: {  	v0 =	vadd.bf16 v1, v0;
	v1 =	vmul.bf16 v6, v2;
	_ =	sdelay $0x1  }
0x23e: {  	v0 =	vadd.bf16 v1, v0;
	_ =	sdelay $0x1  }
0x23f: {  	v1 =	vunpack.i.u.bf16.f32 v0;
	v0 =	vunpack.i.l.bf16.f32 v0  }
0x240: {  	v0 =	vadd.f32 v0, v1;
	_ =	sdelay $0x1  }
0x241: {  	(xrf2) =	vadd.scan.msk.f32 $0xffff, v0;
	_ =	sdelay $0x1  }
0x242: {  	s0 =	sadd.s32 $0x1, s26  }
0x243: {  	v0 =	vmov s0  }
0x244: {  	v0 =	vand.u32 $0xFFFFFFFD, v0  }
0x245: {  	v0 =	vbroadcast v0, $0x0;
	_ =	sdelay $0x4  }
0x246: {  	v1, _, _ =	vpop (xrf2)  }
0x247: {  	[tilespmem:v0+s19+$0x0] =	vst.idx.msk vm0, v1  }
0x248: {  	v0 =	vld [tilespmem:s24+$0x0]  }
0x249: {  	v1 =	vld [tilespmem:s25+$0x0]  }
0x24a: {  	v2 =	vld [tilespmem:s25+$0x10]  }
0x24b: {  	v3 =	vld [tilespmem:s24+$0x10]  }
0x24c: {  	v4 =	vld [tilespmem:s25+$0x20]  }
0x24d: {  	v5 =	vld [tilespmem:s24+$0x20]  }
0x24e: {  	v0 =	vmul.bf16 v1, v0;
	v1 =	vld [tilespmem:s25+$0x30]  }
0x24f: {  	v6 =	vld [tilespmem:s24+$0x30]  }
0x250: {  	v2 =	vmul.bf16 v2, v3;
	_ =	sdelay $0x1  }
0x251: {  	v0 =	vadd.bf16 v2, v0;
	v2 =	vmul.bf16 v4, v5;
	_ =	sdelay $0x1  }
0x252: {  	v0 =	vadd.bf16 v2, v0;
	v1 =	vmul.bf16 v1, v6;
	_ =	sdelay $0x1  }
0x253: {  	v0 =	vadd.bf16 v1, v0;
	_ =	sdelay $0x1  }
0x254: {  	v1 =	vunpack.i.u.bf16.f32 v0;
	v0 =	vunpack.i.l.bf16.f32 v0  }
0x255: {  	v0 =	vadd.f32 v0, v1;
	_ =	sdelay $0x1  }
0x256: {  	(xrf2) =	vadd.scan.msk.f32 $0xffff, v0;
	_ =	sdelay $0x1  }
0x257: {  	s0 =	sadd.s32 $0x2, s26  }
0x258: {  	v0 =	vmov s0  }
0x259: {  	v0 =	vand.u32 $0xFFFFFFFE, v0  }
0x25a: {  	v0 =	vbroadcast v0, $0x0;
	_ =	sdelay $0x4  }
0x25b: {  	v1, _, _ =	vpop (xrf2)  }
0x25c: {  	[tilespmem:v0+s19+$0x0] =	vst.idx.msk vm0, v1  }
0x25d: {  	v0 =	vld [tilespmem:s24+$0x60]  }
0x25e: {  	v1 =	vld [tilespmem:s24+$0x40]  }
0x25f: {  	v2 =	vld [tilespmem:s25+$0x60]  }
0x260: {  	v3 =	vld [tilespmem:s25+$0x50]  }
0x261: {  	v4 =	vld [tilespmem:s25+$0x40]  }
0x262: {  	v5 =	vld [tilespmem:s24+$0x50]  }
0x263: {  	v6 =	vld [tilespmem:s24+$0x70]  }
0x264: {  	v7 =	vld [tilespmem:s25+$0x70];
	_ =	sdelay $0x1  }
0x265: {  	v0 =	vmul.bf16 v2, v0;
	v1 =	vmul.bf16 v4, v1  }
0x266: {  	v2 =	vmul.bf16 v3, v5;
	_ =	sdelay $0x1  }
0x267: {  	v1 =	vadd.bf16 v2, v1  }
0x268: {  	v2 =	vmul.bf16 v7, v6  }
0x269: {  	v0 =	vadd.bf16 v0, v1  }
.Ltmp5:
0x26a: {  	(pc) =	sbr.rel @p0 .LBB2_12-.Ltmp5, $3  }
0x26b: {  	v0 =	vadd.bf16 v2, v0;
	_ =	sdelay $0x1  }
0x26c: {  	v1 =	vunpack.i.u.bf16.f32 v0;
	v0 =	vunpack.i.l.bf16.f32 v0  }
0x26d: {  	v0 =	vadd.f32 v0, v1  }
0x26e: {  	_ = 	snop  }
0x26f: {  	(xrf2) =	vadd.scan.msk.f32 $0xffff, v0;
	_ =	sdelay $0x4  }
0x270: {  	s0 =	sadd.s32 $0x3, s26  }
0x271: {  	v0 =	vmov s0;
	_ =	sdelay $0x3  }
0x272: {  	v1, _, _ =	vpop (xrf2)  }
0x273: {  	s25 =	simm.s32 $0x0;
	[tilespmem:v0+s19+$0x0] =	vst.idx.msk vm0, v1  }
0x274: {  	v0 =	vld [tilespmem:s25+$0x1DE20];
	_ =	sdelay $0x4  }
0x275: {  	v0 =	vadd.f32 $3.205452110e-03, v0;
	_ =	sdelay $0x1  }
0x276: {  	v0 =	vsub.f32 $0.0e+00, v0  }
0x277: {  	s24 =	simm.s32 $0x10  }
0x278: {  	v1 =	vld [tilespmem:s24+$0x1DE20];
	v0 =	vmul.f32 $1.442695020e+00, v0;
	_ =	sdelay $0x1  }
0x279: {  	(erf) = vpow2.f32 v0;
	_ =	sdelay $0x1  }
0x27a: {  	s26 =	simm.s32 $0x20  }
0x27b: {  	v1 =	vadd.f32 $3.205452110e-03, v1;
	v0 =	vld [tilespmem:s26+$0x1DE20];
	_ =	sdelay $0x1  }
0x27c: {  	v1 =	vsub.f32 $0.0e+00, v1;
	_ =	sdelay $0x1  }
0x27d: {  	v1 =	vmul.f32 $1.442695020e+00, v1  }
0x27e: {  	v0 =	vadd.f32 $3.205452110e-03, v0  }
0x27f: {  	s28 =	simm.s32 $0x30;
	v3 =	vpop (erf);
	(erf) = vpow2.f32 v1  }
0x280: {  	v2 =	vsub.f32 $0.0e+00, v0;
	v0 =	vld [tilespmem:s28+$0x1DE20];
	_ =	sdelay $0x2  }
0x281: {  	s1 =	simm.s32 $0x100;
	v2 =	vmul.f32 $1.442695020e+00, v2;
	v1 =	vsub.f32 $1.000000000e+00, v3  }
.LBB2_14:
0x282: {  	p0 =	sne.s32 s1, $0x600  }
.Ltmp6:
0x283: {  	s0 =	sshra.s32 s1, $0x2;
	s1 =	sadd.s32 $0x40, s1;
	v4 =	vadd.f32 $3.205452110e-03, v0;
	(erf) = vpow2.f32 v2;
	[tilespmem:s25+$0x1DFB0] =	vst v1;
	(pc) =	sbr.rel @p0 .LBB2_14-.Ltmp6, $4  }
0x284: {  	s25 =	smov.u32 s24;
	s24 =	smov.u32 s26;
	v0 =	vld [tilespmem:s0+$0x1DE20]  }
0x285: {  	s26 =	smov.u32 s28;
	s28 =	smov.u32 s0;
	v1 =	vsub.f32 $0.0e+00, v4  }
0x286: {  	v3 =	vpop (erf)  }
0x287: {  	v2 =	vmul.f32 $1.442695020e+00, v1;
	v1 =	vsub.f32 $1.000000000e+00, v3  }
0x288: {  	_ = 	snop  }
0x289: {  	v0 =	vadd.f32 $3.205452110e-03, v0;
	_ =	sdelay $0x1  }
0x28a: {  	v0 =	vsub.f32 $0.0e+00, v0;
	_ =	sdelay $0x1  }
0x28b: {  	v0 =	vmul.f32 $1.442695020e+00, v0  }
0x28c: {  	(erf) = vpow2.f32 v2  }
0x28d: {  	(erf) = vpow2.f32 v0;
	_ =	sdelay $0x6  }
0x28e: {  	v60 =	vpop (erf)  }
0x28f: {  	v0 =	vsub.f32 $1.000000000e+00, v60;
	v2 =	vpop (erf)  }
0x290: {  	[tilespmem:s25+$0x1DFB0] =	vst v1;
	v61 =	vsub.f32 $1.000000000e+00, v2;
	v62 =	vpop (erf)  }
0x291: {  	s23 =	sadd.s32 $0x1, s23;
	[tilespmem:s24+$0x1DFB0] =	vst v0;
	v63 =	vsub.f32 $1.000000000e+00, v62  }
0x292: {  	p0 =	sne.s32 s23, s9;
	[tilespmem:s26+$0x1DFB0] =	vst v61  }
.Ltmp7:
0x293: {  	[tilespmem:s28+$0x1DFB0] =	vst v63;
	(pc) =	sbr.rel @p0 .LBB2_1-.Ltmp7, $4  }
0x294: {  	[hbm4b:s8+s4] =	stream.linear.scatter [tilespmem:s20], [sflag:$0x5], $0x190, $0x38;
	[tilespmem:$0x1E140] =	vst v63  }
0x295: {  	_ =	swait.ge [sflag:s10], $0x190  }
0x296: {  	[sflag:s10] =	ssyncset.done $0x0  }
0x297: {  	[sflag:s10] =	ssyncadd.s32 $0xFFFFFE70  }
0x298: {  	_ =	sfence.sel $0x180000  }
0x299: {  	[bflag:$0x0] =	sbarrier.arrive $0xFFFF  }
0x29a: {  	_ =	strace $0x90000047  }
0x29b: {  	s0 =	stileid.u32;
	[bflag:$0x2] =	sbarrier.arrive $0xFFFF  }
0x29c: {  	p0 =	sne.s32 s0, $0x0;
	s0 =	rddreg [dreg:$0x2]  }
0x29d: {  	s0 =	sadd.s32 @!p0 $0x100000, s0  }
0x29e: {  	[sflag:s0] =	ssyncadd.tile.s32 @!p0 $0x1;
	_ =	shalt  }
.Lfunc_end2:
_tile_overlayer_lowered:
.L_overlay_start_2:
0x29f: {  	(tag) =	ssettag $0x2  }
0x2a0: {  	s0 =	rddreg [dreg:$0x0];
	s2 =	stileid.u32  }
0x2a1: {  	s1 =	rddreg [dreg:$0x1];
	p0 =	sne.s32 s2, $0x0  }
0x2a2: {  	s3 =	rddreg [dreg:$0x2];
	[bflag:$0x3] =	sbarrier.arrive $0xFFFF;
	s2 =	simm.s32 @!p0 $0x1C05  }
0x2a3: {  	[timem:s3], [sflag:s2] =	dma.local @!p0 [hbm:s0], s1  }
0x2a4: {  	s0 =	simm.s32 @!p0 $0x5  }
0x2a5: {  	_ =	swait.ge @!p0 [sflag:s0], s1  }
0x2a6: {  	s1 =	ssub.s32 @!p0 $0x0, s1;
	[sflag:s0] =	ssyncset.done @!p0 $0x0  }
0x2a7: {  	[sflag:s0] =	ssyncadd.s32 @!p0 s1  }
0x2a8: {  	[bflag:$0x3] =	sbarrier.arrive $0xFFFF  }
0x2a9: {  	_ =	shalt  }

</sc_bundles>
